<compile_context>
chip_gen: v7x
topology: tpu7x:2x2x1
jax: 0.10.2.dev20260603
libtpu: 0.0.44.dev20260713+nightly
codegen_flags: <defaults>
</compile_context>

<pallas_src>
import functools

import jax
import jax.numpy as jnp
import numpy as np
from jax import lax
from jax.experimental import pallas as pl
from jax.experimental.pallas import tpu as pltpu
from jax.experimental.pallas import tpu_sc as plsc

_B, _L, _N = 4096, 200, 128
_G = 4
_L4 = _L // _G
_NC = 1 << _G
_NW = 32
_BSC = 256
_BPW = _BSC // _NW
_NJ = _N // 16


def _prep_body(e0_ref, e1_ref, xf_ref, w_ref, t_ref, offs_ref):
    e0r = e0_ref[...].reshape(_L4, _G, _N)
    e1r = e1_ref[...].reshape(_L4, _G, _N)
    es = [[e0r[:, k, :] for k in range(_G)],
          [e1r[:, k, :] for k in range(_G)]]
    xsc = xf_ref[...]
    for c in range(_NC):
        t = es[c & 1][0]
        for k in range(1, _G):
            t = t * es[(c >> k) & 1][k]
        t_ref[c * _L4:(c + 1) * _L4, :] = t
    idx = jnp.dot(xsc.astype(jnp.float32), w_ref[...],
                  preferred_element_type=jnp.float32).astype(jnp.int32)
    l4 = lax.broadcasted_iota(jnp.int32, idx.shape, 1)
    offs_ref[...] = idx * _L4 + l4


def _sc_body(t_hbm, offs_hbm, out_hbm, t_sp, t_v, offs_v, out_v):
    wid = lax.axis_index("s") * 2 + lax.axis_index("c")
    base = wid * _BPW

    @pl.when(lax.axis_index("s") == 0)
    def _stage():
        pltpu.sync_copy(t_hbm, t_sp)

    plsc.subcore_barrier()
    pltpu.sync_copy(t_sp, t_v)
    pltpu.sync_copy(offs_hbm.at[pl.ds(base, _BPW)], offs_v)

    lane0 = lax.iota(jnp.int32, 16) == 0
    zeros = jnp.zeros((16,), jnp.int32)
    csts = [lax.iota(jnp.int32, 16) + 16 * j for j in range(_NJ)]

    def sample_body(i, carry):
        ii = zeros + i

        def l_body(l4, accs):
            ob = plsc.load_gather(offs_v, [ii, zeros + l4])
            return tuple(
                accs[j] * plsc.load_gather(t_v, [ob, csts[j]])
                for j in range(_NJ)
            )

        accs = lax.fori_loop(
            0, _L4, l_body,
            tuple(jnp.full((16,), 1.0, jnp.float32) for _ in range(_NJ)),
            unroll=5)
        s = accs[0]
        for j in range(1, _NJ):
            s = s + accs[j]
        sv = jnp.zeros((16,), jnp.float32) + jnp.sum(s)
        plsc.store_scatter(out_v, [ii], sv, mask=lane0)
        return carry

    lax.fori_loop(0, _BPW, sample_body, 0)
    pltpu.sync_copy(out_v, out_hbm.at[pl.ds(base, _BPW)])


def _tc_body(x_ref, e0_ref, e1_ref, out_ref):
    xb = x_ref[...].astype(jnp.float32)
    e0 = e0_ref[...]
    e1 = e1_ref[...]
    la0 = jnp.log(jnp.abs(e0))
    la1 = jnp.log(jnp.abs(e1))
    dla = la1 - la0
    base = jnp.sum(la0, axis=0, keepdims=True)
    n0 = (e0 < 0).astype(jnp.float32)
    n1 = (e1 < 0).astype(jnp.float32)
    dn = n1 - n0
    nbase = jnp.sum(n0, axis=0, keepdims=True)
    m = jnp.dot(xb, dla, preferred_element_type=jnp.float32) + base
    par = jnp.dot(xb, dn, preferred_element_type=jnp.float32) + nbase
    parity = par.astype(jnp.int32) & 1
    sign = (1 - 2 * parity).astype(jnp.float32)
    prods = sign * jnp.exp(m)
    out_ref[...] = jnp.sum(prods, axis=1, keepdims=True)


def kernel(x_in, epsilon):
    x = x_in
    squeeze = False
    if x.ndim == 1:
        x = x[None, :]
        squeeze = True
    x = x.astype(jnp.int32)
    bt = _B - _BSC
    e0 = epsilon[0].T
    e1 = epsilon[1].T
    w_np = np.zeros((_L, _L4), np.float32)
    for l in range(_L):
        w_np[l, l // _G] = float(1 << (l % _G))
    w = jnp.asarray(w_np)

    t, offs = pl.pallas_call(
        _prep_body,
        grid=(1,),
        in_specs=[pl.BlockSpec((_L, _N), lambda i: (0, 0))] * 2
        + [pl.BlockSpec((_BSC, _L), lambda i: (_B // _BSC - 1, 0)),
           pl.BlockSpec((_L, _L4), lambda i: (0, 0))],
        out_specs=[
            pl.BlockSpec((_NC * _L4, _N), lambda i: (0, 0)),
            pl.BlockSpec((_BSC, _L4), lambda i: (0, 0)),
        ],
        out_shape=[
            jax.ShapeDtypeStruct((_NC * _L4, _N), jnp.float32),
            jax.ShapeDtypeStruct((_BSC, _L4), jnp.int32),
        ],
    )(e0, e1, x, w)

    mesh = plsc.VectorSubcoreMesh(core_axis_name="c", subcore_axis_name="s")
    run = functools.partial(
        pl.kernel,
        mesh=mesh,
        compiler_params=pltpu.CompilerParams(use_tc_tiling_on_sc=False,
                                             needs_layout_passes=False),
        out_type=jax.ShapeDtypeStruct((_BSC,), jnp.float32),
        scratch_types=[
            pltpu.VMEM_SHARED((_NC * _L4, _N), jnp.float32),
            pltpu.VMEM((_NC * _L4, _N), jnp.float32),
            pltpu.VMEM((_BPW, _L4), jnp.int32),
            pltpu.VMEM((_BPW,), jnp.float32),
        ],
    )(_sc_body)
    out_sc = run(t, offs)

    out_tc = pl.pallas_call(
        _tc_body,
        grid=(1,),
        in_specs=[
            pl.BlockSpec((bt, _L), lambda i: (0, 0)),
            pl.BlockSpec((_L, _N), lambda i: (0, 0)),
            pl.BlockSpec((_L, _N), lambda i: (0, 0)),
        ],
        out_specs=pl.BlockSpec((bt, 1), lambda i: (0, 0)),
        out_shape=jax.ShapeDtypeStruct((bt, 1), jnp.float32),
    )(x, e0, e1)[:, 0]

    out = jnp.concatenate([out_tc, out_sc])
    if squeeze:
        out = out[0]
    return out

# --- scband reference (transcript-rebuilt; emitter-appended) ---
"""Pipeline reference for scband-qgps-53395033424143 (READ-ONLY COPY).

The authoritative reference and input builder live on the scoring server;
editing this copy changes nothing except your own understanding.
"""

import jax, jax.numpy as jnp
import numpy as np

B, L, N = 4096, 200, 128

def setup_inputs(seed: int = 0) -> dict:
    key = jax.random.key(seed)
    k1, k2 = jax.random.split(key)
    x_in = jax.random.randint(k1, (B, L), 0, 2).astype(jnp.int64)
    # gaussian-initialized epsilon, centered near 1.0 so prod over L stays finite
    epsilon = (1.0 + 0.01 * jax.random.normal(k2, (2, N, L))).astype(jnp.float32)
    return {"x_in": x_in, "epsilon": epsilon}

def _compute_log_psi(eps, conf):
    idx = jnp.expand_dims(jax.nn.relu(conf), axis=(0, 1))  # (1,1,L), int
    vals = jnp.take_along_axis(eps, idx, axis=0)           # (1,N,L)
    prods = jnp.prod(vals, axis=-1)                        # (1,N)
    return jnp.sum(prods)

def reference(x_in, epsilon):
    x = x_in
    if jnp.ndim(x) == 1:
        x = jnp.expand_dims(x, axis=0)
    log_psi = jax.vmap(_compute_log_psi, in_axes=(None, 0))(epsilon, x)
    return log_psi

if __name__ == "__main__":
    import jax
    _d = setup_inputs()
    print(jax.jit(kernel)(*tuple(_d.values())))

</pallas_src>

<mosaic_0001>
#map = affine_map<(d0, d1) -> (0, 0)>
#map1 = affine_map<(d0, d1) -> (0)>
module attributes {stable_mosaic.version = 14 : i64} {
  func.func @_sc_body(%arg0: i32, %arg1: i32, %arg2: memref<800x128xf32, #tpu.memory_space<hbm>>, %arg3: memref<256x50xi32, #tpu.memory_space<hbm>>, %arg4: memref<256xf32, #tpu.memory_space<hbm>>, %arg5: memref<800x128xf32, #tpu.memory_space<vmem_shared>>, %arg6: memref<800x128xf32, #tpu.memory_space<vmem>>, %arg7: memref<8x50xi32, #tpu.memory_space<vmem>>, %arg8: memref<8xf32, #tpu.memory_space<vmem>>) attributes {dimension_semantics = [#tpu.dimension_semantics<core_parallel>, #tpu.dimension_semantics<subcore_parallel>], iteration_bounds = array<i64: 2, 16>, scalar_prefetch = 0 : i64, scratch_operands = 4 : i64, tpu.core_type = #tpu.core_type<sc_vector_subcore>, window_params = [{transform_indices = #map}, {transform_indices = #map}, {transform_indices = #map1}]} {
    %mul3A = arith.constant 2 : i32
    %mul3A_0 = arith.muli %arg1, %mul3A : i32
    %add3A = arith.addi %mul3A_0, %arg0 : i32
    %mul3A_1 = arith.constant 8 : i32
    %mul3A_2 = arith.muli %add3A, %mul3A_1 : i32
    %eq3A = arith.constant 0 : i32
    %eq3A_3 = arith.cmpi eq, %arg1, %eq3A : i32
    %convert_element_type3A = arith.extui %eq3A_3 : i1 to i32
    %cond3A = arith.constant 0 : i32
    %cond3A_4 = arith.cmpi ne, %convert_element_type3A, %cond3A : i32
    scf.if %cond3A_4 {
      "tpu.region"() ({
        %run_scoped3A = tpu.sem_alloc : memref<!tpu.dma_semaphore, #tpu.memory_space<semaphore_mem>>
        tpu.enqueue_dma source(%arg2 : memref<800x128xf32, #tpu.memory_space<hbm>>) target(%arg5 : memref<800x128xf32, #tpu.memory_space<vmem_shared>>) target_semaphore(%run_scoped3A : memref<!tpu.dma_semaphore, #tpu.memory_space<semaphore_mem>>)
        tpu.wait_dma2 semaphore(%run_scoped3A : memref<!tpu.dma_semaphore, #tpu.memory_space<semaphore_mem>>) src(%arg2 : memref<800x128xf32, #tpu.memory_space<hbm>>) dst(%arg5 : memref<800x128xf32, #tpu.memory_space<vmem_shared>>)
        tpu.yield
      }) : () -> ()
    } else {
    }
    %barrier3A = arith.constant 0 : index
    tpu.barrier barrier_id(%barrier3A)
    "tpu.region"() ({
      %run_scoped3A = tpu.sem_alloc : memref<!tpu.dma_semaphore, #tpu.memory_space<semaphore_mem>>
      tpu.enqueue_dma source(%arg5 : memref<800x128xf32, #tpu.memory_space<vmem_shared>>) target(%arg6 : memref<800x128xf32, #tpu.memory_space<vmem>>) target_semaphore(%run_scoped3A : memref<!tpu.dma_semaphore, #tpu.memory_space<semaphore_mem>>)
      tpu.wait_dma2 semaphore(%run_scoped3A : memref<!tpu.dma_semaphore, #tpu.memory_space<semaphore_mem>>) src(%arg5 : memref<800x128xf32, #tpu.memory_space<vmem_shared>>) dst(%arg6 : memref<800x128xf32, #tpu.memory_space<vmem>>)
      tpu.yield
    }) : () -> ()
    "tpu.region"() ({
      %run_scoped3A = tpu.sem_alloc : memref<!tpu.dma_semaphore, #tpu.memory_space<semaphore_mem>>
      %dma_start3A = arith.constant 0 : i32
      %dma_start3A_46 = tpu.memref_slice %arg3[%mul3A_2, %dma_start3A] : memref<256x50xi32, #tpu.memory_space<hbm>> -> memref<8x50xi32, #tpu.memory_space<hbm>>
      %dma_start3A_47 = arith.constant 0 : i32
      %dma_start3A_48 = tpu.memref_slice %arg3[%mul3A_2, %dma_start3A_47] : memref<256x50xi32, #tpu.memory_space<hbm>> -> memref<8x50xi32, #tpu.memory_space<hbm>>
      tpu.enqueue_dma source(%dma_start3A_48 : memref<8x50xi32, #tpu.memory_space<hbm>>) target(%arg7 : memref<8x50xi32, #tpu.memory_space<vmem>>) target_semaphore(%run_scoped3A : memref<!tpu.dma_semaphore, #tpu.memory_space<semaphore_mem>>)
      %dma_wait3A = arith.constant 0 : i32
      %dma_wait3A_49 = tpu.memref_slice %arg3[%mul3A_2, %dma_wait3A] : memref<256x50xi32, #tpu.memory_space<hbm>> -> memref<8x50xi32, #tpu.memory_space<hbm>>
      %dma_wait3A_50 = arith.constant 0 : i32
      %dma_wait3A_51 = tpu.memref_slice %arg3[%mul3A_2, %dma_wait3A_50] : memref<256x50xi32, #tpu.memory_space<hbm>> -> memref<8x50xi32, #tpu.memory_space<hbm>>
      tpu.wait_dma2 semaphore(%run_scoped3A : memref<!tpu.dma_semaphore, #tpu.memory_space<semaphore_mem>>) src(%dma_wait3A_51 : memref<8x50xi32, #tpu.memory_space<hbm>>) dst(%arg7 : memref<8x50xi32, #tpu.memory_space<vmem>>)
      tpu.yield
    }) : () -> ()
    %iota3A = tpu.iota {dimensions = array<i32: 0>} : vector<16xi32>
    %eq3A_5 = arith.constant 0 : i32
    %eq3A_6 = vector.broadcast %eq3A_5 : i32 to vector<16xi32>
    %eq3A_7 = arith.cmpi eq, %iota3A, %eq3A_6 : vector<16xi32>
    %broadcast_in_dim3A = arith.constant 0 : i32
    %broadcast_in_dim3A_8 = vector.broadcast %broadcast_in_dim3A : i32 to vector<16xi32>
    %iota3A_9 = tpu.iota {dimensions = array<i32: 0>} : vector<16xi32>
    %add3A_10 = arith.constant 0 : i32
    %add3A_11 = vector.broadcast %add3A_10 : i32 to vector<16xi32>
    %add3A_12 = arith.addi %iota3A_9, %add3A_11 : vector<16xi32>
    %iota3A_13 = tpu.iota {dimensions = array<i32: 0>} : vector<16xi32>
    %add3A_14 = arith.constant 16 : i32
    %add3A_15 = vector.broadcast %add3A_14 : i32 to vector<16xi32>
    %add3A_16 = arith.addi %iota3A_13, %add3A_15 : vector<16xi32>
    %iota3A_17 = tpu.iota {dimensions = array<i32: 0>} : vector<16xi32>
    %add3A_18 = arith.constant 32 : i32
    %add3A_19 = vector.broadcast %add3A_18 : i32 to vector<16xi32>
    %add3A_20 = arith.addi %iota3A_17, %add3A_19 : vector<16xi32>
    %iota3A_21 = tpu.iota {dimensions = array<i32: 0>} : vector<16xi32>
    %add3A_22 = arith.constant 48 : i32
    %add3A_23 = vector.broadcast %add3A_22 : i32 to vector<16xi32>
    %add3A_24 = arith.addi %iota3A_21, %add3A_23 : vector<16xi32>
    %iota3A_25 = tpu.iota {dimensions = array<i32: 0>} : vector<16xi32>
    %add3A_26 = arith.constant 64 : i32
    %add3A_27 = vector.broadcast %add3A_26 : i32 to vector<16xi32>
    %add3A_28 = arith.addi %iota3A_25, %add3A_27 : vector<16xi32>
    %iota3A_29 = tpu.iota {dimensions = array<i32: 0>} : vector<16xi32>
    %add3A_30 = arith.constant 80 : i32
    %add3A_31 = vector.broadcast %add3A_30 : i32 to vector<16xi32>
    %add3A_32 = arith.addi %iota3A_29, %add3A_31 : vector<16xi32>
    %iota3A_33 = tpu.iota {dimensions = array<i32: 0>} : vector<16xi32>
    %add3A_34 = arith.constant 96 : i32
    %add3A_35 = vector.broadcast %add3A_34 : i32 to vector<16xi32>
    %add3A_36 = arith.addi %iota3A_33, %add3A_35 : vector<16xi32>
    %iota3A_37 = tpu.iota {dimensions = array<i32: 0>} : vector<16xi32>
    %add3A_38 = arith.constant 112 : i32
    %add3A_39 = vector.broadcast %add3A_38 : i32 to vector<16xi32>
    %add3A_40 = arith.addi %iota3A_37, %add3A_39 : vector<16xi32>
    %scan3A = arith.constant 0 : i32
    %scan3A_41 = arith.constant 0 : i32
    %scan3A_42 = arith.constant 8 : i32
    %scan3A_43 = arith.addi %scan3A_41, %scan3A_42 : i32
    %scan3A_44 = arith.constant 1 : i32
    scf.for %scan3A_46 = %scan3A_41 to %scan3A_43 step %scan3A_44  : i32 {
      %add3A_47 = vector.broadcast %scan3A_46 : i32 to vector<16xi32>
      %add3A_48 = arith.addi %broadcast_in_dim3A_8, %add3A_47 : vector<16xi32>
      %broadcast_in_dim3A_49 = arith.constant 1.000000e+00 : f32
      %broadcast_in_dim3A_50 = vector.broadcast %broadcast_in_dim3A_49 : f32 to vector<16xf32>
      %broadcast_in_dim3A_51 = arith.constant 1.000000e+00 : f32
      %broadcast_in_dim3A_52 = vector.broadcast %broadcast_in_dim3A_51 : f32 to vector<16xf32>
      %broadcast_in_dim3A_53 = arith.constant 1.000000e+00 : f32
      %broadcast_in_dim3A_54 = vector.broadcast %broadcast_in_dim3A_53 : f32 to vector<16xf32>
      %broadcast_in_dim3A_55 = arith.constant 1.000000e+00 : f32
      %broadcast_in_dim3A_56 = vector.broadcast %broadcast_in_dim3A_55 : f32 to vector<16xf32>
      %broadcast_in_dim3A_57 = arith.constant 1.000000e+00 : f32
      %broadcast_in_dim3A_58 = vector.broadcast %broadcast_in_dim3A_57 : f32 to vector<16xf32>
      %broadcast_in_dim3A_59 = arith.constant 1.000000e+00 : f32
      %broadcast_in_dim3A_60 = vector.broadcast %broadcast_in_dim3A_59 : f32 to vector<16xf32>
      %broadcast_in_dim3A_61 = arith.constant 1.000000e+00 : f32
      %broadcast_in_dim3A_62 = vector.broadcast %broadcast_in_dim3A_61 : f32 to vector<16xf32>
      %broadcast_in_dim3A_63 = arith.constant 1.000000e+00 : f32
      %broadcast_in_dim3A_64 = vector.broadcast %broadcast_in_dim3A_63 : f32 to vector<16xf32>
      %scan3A_65 = arith.constant 0 : i32
      %scan3A_66 = arith.constant 50 : i32
      %scan3A_67 = arith.addi %scan3A_65, %scan3A_66 : i32
      %scan3A_68 = arith.constant 5 : i32
      %scan3A_69:8 = scf.for %scan3A_85 = %scan3A_65 to %scan3A_67 step %scan3A_68 iter_args(%scan3A_86 = %broadcast_in_dim3A_50, %scan3A_87 = %broadcast_in_dim3A_52, %scan3A_88 = %broadcast_in_dim3A_54, %scan3A_89 = %broadcast_in_dim3A_56, %scan3A_90 = %broadcast_in_dim3A_58, %scan3A_91 = %broadcast_in_dim3A_60, %scan3A_92 = %broadcast_in_dim3A_62, %scan3A_93 = %broadcast_in_dim3A_64) -> (vector<16xf32>, vector<16xf32>, vector<16xf32>, vector<16xf32>, vector<16xf32>, vector<16xf32>, vector<16xf32>, vector<16xf32>)  : i32 {
        %add3A_94 = vector.broadcast %scan3A_85 : i32 to vector<16xi32>
        %add3A_95 = arith.addi %broadcast_in_dim3A_8, %add3A_94 : vector<16xi32>
        %gather3A = tpu.vector_load_idx %arg7[%add3A_48, %add3A_95] : memref<8x50xi32, #tpu.memory_space<vmem>>[vector<16xi32>, vector<16xi32>], vector<16xi32>,
        %gather3A_96 = tpu.vector_load_idx %arg6[%gather3A, %add3A_12] : memref<800x128xf32, #tpu.memory_space<vmem>>[vector<16xi32>, vector<16xi32>], vector<16xf32>,
        %mul3A_97 = arith.mulf %scan3A_86, %gather3A_96 : vector<16xf32>
        %gather3A_98 = tpu.vector_load_idx %arg6[%gather3A, %add3A_16] : memref<800x128xf32, #tpu.memory_space<vmem>>[vector<16xi32>, vector<16xi32>], vector<16xf32>,
        %mul3A_99 = arith.mulf %scan3A_87, %gather3A_98 : vector<16xf32>
        %gather3A_100 = tpu.vector_load_idx %arg6[%gather3A, %add3A_20] : memref<800x128xf32, #tpu.memory_space<vmem>>[vector<16xi32>, vector<16xi32>], vector<16xf32>,
        %mul3A_101 = arith.mulf %scan3A_88, %gather3A_100 : vector<16xf32>
        %gather3A_102 = tpu.vector_load_idx %arg6[%gather3A, %add3A_24] : memref<800x128xf32, #tpu.memory_space<vmem>>[vector<16xi32>, vector<16xi32>], vector<16xf32>,
        %mul3A_103 = arith.mulf %scan3A_89, %gather3A_102 : vector<16xf32>
        %gather3A_104 = tpu.vector_load_idx %arg6[%gather3A, %add3A_28] : memref<800x128xf32, #tpu.memory_space<vmem>>[vector<16xi32>, vector<16xi32>], vector<16xf32>,
        %mul3A_105 = arith.mulf %scan3A_90, %gather3A_104 : vector<16xf32>
        %gather3A_106 = tpu.vector_load_idx %arg6[%gather3A, %add3A_32] : memref<800x128xf32, #tpu.memory_space<vmem>>[vector<16xi32>, vector<16xi32>], vector<16xf32>,
        %mul3A_107 = arith.mulf %scan3A_91, %gather3A_106 : vector<16xf32>
        %gather3A_108 = tpu.vector_load_idx %arg6[%gather3A, %add3A_36] : memref<800x128xf32, #tpu.memory_space<vmem>>[vector<16xi32>, vector<16xi32>], vector<16xf32>,
        %mul3A_109 = arith.mulf %scan3A_92, %gather3A_108 : vector<16xf32>
        %gather3A_110 = tpu.vector_load_idx %arg6[%gather3A, %add3A_40] : memref<800x128xf32, #tpu.memory_space<vmem>>[vector<16xi32>, vector<16xi32>], vector<16xf32>,
        %mul3A_111 = arith.mulf %scan3A_93, %gather3A_110 : vector<16xf32>
        %scan3A_112 = arith.constant 1 : i32
        %scan3A_113 = arith.addi %scan3A_85, %scan3A_112 : i32
        %add3A_114 = vector.broadcast %scan3A_113 : i32 to vector<16xi32>
        %add3A_115 = arith.addi %broadcast_in_dim3A_8, %add3A_114 : vector<16xi32>
        %gather3A_116 = tpu.vector_load_idx %arg7[%add3A_48, %add3A_115] : memref<8x50xi32, #tpu.memory_space<vmem>>[vector<16xi32>, vector<16xi32>], vector<16xi32>,
        %gather3A_117 = tpu.vector_load_idx %arg6[%gather3A_116, %add3A_12] : memref<800x128xf32, #tpu.memory_space<vmem>>[vector<16xi32>, vector<16xi32>], vector<16xf32>,
        %mul3A_118 = arith.mulf %mul3A_97, %gather3A_117 : vector<16xf32>
        %gather3A_119 = tpu.vector_load_idx %arg6[%gather3A_116, %add3A_16] : memref<800x128xf32, #tpu.memory_space<vmem>>[vector<16xi32>, vector<16xi32>], vector<16xf32>,
        %mul3A_120 = arith.mulf %mul3A_99, %gather3A_119 : vector<16xf32>
        %gather3A_121 = tpu.vector_load_idx %arg6[%gather3A_116, %add3A_20] : memref<800x128xf32, #tpu.memory_space<vmem>>[vector<16xi32>, vector<16xi32>], vector<16xf32>,
        %mul3A_122 = arith.mulf %mul3A_101, %gather3A_121 : vector<16xf32>
        %gather3A_123 = tpu.vector_load_idx %arg6[%gather3A_116, %add3A_24] : memref<800x128xf32, #tpu.memory_space<vmem>>[vector<16xi32>, vector<16xi32>], vector<16xf32>,
        %mul3A_124 = arith.mulf %mul3A_103, %gather3A_123 : vector<16xf32>
        %gather3A_125 = tpu.vector_load_idx %arg6[%gather3A_116, %add3A_28] : memref<800x128xf32, #tpu.memory_space<vmem>>[vector<16xi32>, vector<16xi32>], vector<16xf32>,
        %mul3A_126 = arith.mulf %mul3A_105, %gather3A_125 : vector<16xf32>
        %gather3A_127 = tpu.vector_load_idx %arg6[%gather3A_116, %add3A_32] : memref<800x128xf32, #tpu.memory_space<vmem>>[vector<16xi32>, vector<16xi32>], vector<16xf32>,
        %mul3A_128 = arith.mulf %mul3A_107, %gather3A_127 : vector<16xf32>
        %gather3A_129 = tpu.vector_load_idx %arg6[%gather3A_116, %add3A_36] : memref<800x128xf32, #tpu.memory_space<vmem>>[vector<16xi32>, vector<16xi32>], vector<16xf32>,
        %mul3A_130 = arith.mulf %mul3A_109, %gather3A_129 : vector<16xf32>
        %gather3A_131 = tpu.vector_load_idx %arg6[%gather3A_116, %add3A_40] : memref<800x128xf32, #tpu.memory_space<vmem>>[vector<16xi32>, vector<16xi32>], vector<16xf32>,
        %mul3A_132 = arith.mulf %mul3A_111, %gather3A_131 : vector<16xf32>
        %scan3A_133 = arith.constant 2 : i32
        %scan3A_134 = arith.addi %scan3A_85, %scan3A_133 : i32
        %add3A_135 = vector.broadcast %scan3A_134 : i32 to vector<16xi32>
        %add3A_136 = arith.addi %broadcast_in_dim3A_8, %add3A_135 : vector<16xi32>
        %gather3A_137 = tpu.vector_load_idx %arg7[%add3A_48, %add3A_136] : memref<8x50xi32, #tpu.memory_space<vmem>>[vector<16xi32>, vector<16xi32>], vector<16xi32>,
        %gather3A_138 = tpu.vector_load_idx %arg6[%gather3A_137, %add3A_12] : memref<800x128xf32, #tpu.memory_space<vmem>>[vector<16xi32>, vector<16xi32>], vector<16xf32>,
        %mul3A_139 = arith.mulf %mul3A_118, %gather3A_138 : vector<16xf32>
        %gather3A_140 = tpu.vector_load_idx %arg6[%gather3A_137, %add3A_16] : memref<800x128xf32, #tpu.memory_space<vmem>>[vector<16xi32>, vector<16xi32>], vector<16xf32>,
        %mul3A_141 = arith.mulf %mul3A_120, %gather3A_140 : vector<16xf32>
        %gather3A_142 = tpu.vector_load_idx %arg6[%gather3A_137, %add3A_20] : memref<800x128xf32, #tpu.memory_space<vmem>>[vector<16xi32>, vector<16xi32>], vector<16xf32>,
        %mul3A_143 = arith.mulf %mul3A_122, %gather3A_142 : vector<16xf32>
        %gather3A_144 = tpu.vector_load_idx %arg6[%gather3A_137, %add3A_24] : memref<800x128xf32, #tpu.memory_space<vmem>>[vector<16xi32>, vector<16xi32>], vector<16xf32>,
        %mul3A_145 = arith.mulf %mul3A_124, %gather3A_144 : vector<16xf32>
        %gather3A_146 = tpu.vector_load_idx %arg6[%gather3A_137, %add3A_28] : memref<800x128xf32, #tpu.memory_space<vmem>>[vector<16xi32>, vector<16xi32>], vector<16xf32>,
        %mul3A_147 = arith.mulf %mul3A_126, %gather3A_146 : vector<16xf32>
        %gather3A_148 = tpu.vector_load_idx %arg6[%gather3A_137, %add3A_32] : memref<800x128xf32, #tpu.memory_space<vmem>>[vector<16xi32>, vector<16xi32>], vector<16xf32>,
        %mul3A_149 = arith.mulf %mul3A_128, %gather3A_148 : vector<16xf32>
        %gather3A_150 = tpu.vector_load_idx %arg6[%gather3A_137, %add3A_36] : memref<800x128xf32, #tpu.memory_space<vmem>>[vector<16xi32>, vector<16xi32>], vector<16xf32>,
        %mul3A_151 = arith.mulf %mul3A_130, %gather3A_150 : vector<16xf32>
        %gather3A_152 = tpu.vector_load_idx %arg6[%gather3A_137, %add3A_40] : memref<800x128xf32, #tpu.memory_space<vmem>>[vector<16xi32>, vector<16xi32>], vector<16xf32>,
        %mul3A_153 = arith.mulf %mul3A_132, %gather3A_152 : vector<16xf32>
        %scan3A_154 = arith.constant 3 : i32
        %scan3A_155 = arith.addi %scan3A_85, %scan3A_154 : i32
        %add3A_156 = vector.broadcast %scan3A_155 : i32 to vector<16xi32>
        %add3A_157 = arith.addi %broadcast_in_dim3A_8, %add3A_156 : vector<16xi32>
        %gather3A_158 = tpu.vector_load_idx %arg7[%add3A_48, %add3A_157] : memref<8x50xi32, #tpu.memory_space<vmem>>[vector<16xi32>, vector<16xi32>], vector<16xi32>,
        %gather3A_159 = tpu.vector_load_idx %arg6[%gather3A_158, %add3A_12] : memref<800x128xf32, #tpu.memory_space<vmem>>[vector<16xi32>, vector<16xi32>], vector<16xf32>,
        %mul3A_160 = arith.mulf %mul3A_139, %gather3A_159 : vector<16xf32>
        %gather3A_161 = tpu.vector_load_idx %arg6[%gather3A_158, %add3A_16] : memref<800x128xf32, #tpu.memory_space<vmem>>[vector<16xi32>, vector<16xi32>], vector<16xf32>,
        %mul3A_162 = arith.mulf %mul3A_141, %gather3A_161 : vector<16xf32>
        %gather3A_163 = tpu.vector_load_idx %arg6[%gather3A_158, %add3A_20] : memref<800x128xf32, #tpu.memory_space<vmem>>[vector<16xi32>, vector<16xi32>], vector<16xf32>,
        %mul3A_164 = arith.mulf %mul3A_143, %gather3A_163 : vector<16xf32>
        %gather3A_165 = tpu.vector_load_idx %arg6[%gather3A_158, %add3A_24] : memref<800x128xf32, #tpu.memory_space<vmem>>[vector<16xi32>, vector<16xi32>], vector<16xf32>,
        %mul3A_166 = arith.mulf %mul3A_145, %gather3A_165 : vector<16xf32>
        %gather3A_167 = tpu.vector_load_idx %arg6[%gather3A_158, %add3A_28] : memref<800x128xf32, #tpu.memory_space<vmem>>[vector<16xi32>, vector<16xi32>], vector<16xf32>,
        %mul3A_168 = arith.mulf %mul3A_147, %gather3A_167 : vector<16xf32>
        %gather3A_169 = tpu.vector_load_idx %arg6[%gather3A_158, %add3A_32] : memref<800x128xf32, #tpu.memory_space<vmem>>[vector<16xi32>, vector<16xi32>], vector<16xf32>,
        %mul3A_170 = arith.mulf %mul3A_149, %gather3A_169 : vector<16xf32>
        %gather3A_171 = tpu.vector_load_idx %arg6[%gather3A_158, %add3A_36] : memref<800x128xf32, #tpu.memory_space<vmem>>[vector<16xi32>, vector<16xi32>], vector<16xf32>,
        %mul3A_172 = arith.mulf %mul3A_151, %gather3A_171 : vector<16xf32>
        %gather3A_173 = tpu.vector_load_idx %arg6[%gather3A_158, %add3A_40] : memref<800x128xf32, #tpu.memory_space<vmem>>[vector<16xi32>, vector<16xi32>], vector<16xf32>,
        %mul3A_174 = arith.mulf %mul3A_153, %gather3A_173 : vector<16xf32>
        %scan3A_175 = arith.constant 4 : i32
        %scan3A_176 = arith.addi %scan3A_85, %scan3A_175 : i32
        %add3A_177 = vector.broadcast %scan3A_176 : i32 to vector<16xi32>
        %add3A_178 = arith.addi %broadcast_in_dim3A_8, %add3A_177 : vector<16xi32>
        %gather3A_179 = tpu.vector_load_idx %arg7[%add3A_48, %add3A_178] : memref<8x50xi32, #tpu.memory_space<vmem>>[vector<16xi32>, vector<16xi32>], vector<16xi32>,
        %gather3A_180 = tpu.vector_load_idx %arg6[%gather3A_179, %add3A_12] : memref<800x128xf32, #tpu.memory_space<vmem>>[vector<16xi32>, vector<16xi32>], vector<16xf32>,
        %mul3A_181 = arith.mulf %mul3A_160, %gather3A_180 : vector<16xf32>
        %gather3A_182 = tpu.vector_load_idx %arg6[%gather3A_179, %add3A_16] : memref<800x128xf32, #tpu.memory_space<vmem>>[vector<16xi32>, vector<16xi32>], vector<16xf32>,
        %mul3A_183 = arith.mulf %mul3A_162, %gather3A_182 : vector<16xf32>
        %gather3A_184 = tpu.vector_load_idx %arg6[%gather3A_179, %add3A_20] : memref<800x128xf32, #tpu.memory_space<vmem>>[vector<16xi32>, vector<16xi32>], vector<16xf32>,
        %mul3A_185 = arith.mulf %mul3A_164, %gather3A_184 : vector<16xf32>
        %gather3A_186 = tpu.vector_load_idx %arg6[%gather3A_179, %add3A_24] : memref<800x128xf32, #tpu.memory_space<vmem>>[vector<16xi32>, vector<16xi32>], vector<16xf32>,
        %mul3A_187 = arith.mulf %mul3A_166, %gather3A_186 : vector<16xf32>
        %gather3A_188 = tpu.vector_load_idx %arg6[%gather3A_179, %add3A_28] : memref<800x128xf32, #tpu.memory_space<vmem>>[vector<16xi32>, vector<16xi32>], vector<16xf32>,
        %mul3A_189 = arith.mulf %mul3A_168, %gather3A_188 : vector<16xf32>
        %gather3A_190 = tpu.vector_load_idx %arg6[%gather3A_179, %add3A_32] : memref<800x128xf32, #tpu.memory_space<vmem>>[vector<16xi32>, vector<16xi32>], vector<16xf32>,
        %mul3A_191 = arith.mulf %mul3A_170, %gather3A_190 : vector<16xf32>
        %gather3A_192 = tpu.vector_load_idx %arg6[%gather3A_179, %add3A_36] : memref<800x128xf32, #tpu.memory_space<vmem>>[vector<16xi32>, vector<16xi32>], vector<16xf32>,
        %mul3A_193 = arith.mulf %mul3A_172, %gather3A_192 : vector<16xf32>
        %gather3A_194 = tpu.vector_load_idx %arg6[%gather3A_179, %add3A_40] : memref<800x128xf32, #tpu.memory_space<vmem>>[vector<16xi32>, vector<16xi32>], vector<16xf32>,
        %mul3A_195 = arith.mulf %mul3A_174, %gather3A_194 : vector<16xf32>
        scf.yield %mul3A_181, %mul3A_183, %mul3A_185, %mul3A_187, %mul3A_189, %mul3A_191, %mul3A_193, %mul3A_195 : vector<16xf32>, vector<16xf32>, vector<16xf32>, vector<16xf32>, vector<16xf32>, vector<16xf32>, vector<16xf32>, vector<16xf32>
      }
      %scan3A_70 = arith.constant 50 : i32
      %add3A_71 = arith.addf %scan3A_69#0, %scan3A_69#1 : vector<16xf32>
      %add3A_72 = arith.addf %add3A_71, %scan3A_69#2 : vector<16xf32>
      %add3A_73 = arith.addf %add3A_72, %scan3A_69#3 : vector<16xf32>
      %add3A_74 = arith.addf %add3A_73, %scan3A_69#4 : vector<16xf32>
      %add3A_75 = arith.addf %add3A_74, %scan3A_69#5 : vector<16xf32>
      %add3A_76 = arith.addf %add3A_75, %scan3A_69#6 : vector<16xf32>
      %add3A_77 = arith.addf %add3A_76, %scan3A_69#7 : vector<16xf32>
      %broadcast_in_dim3A_78 = arith.constant 0.000000e+00 : f32
      %broadcast_in_dim3A_79 = vector.broadcast %broadcast_in_dim3A_78 : f32 to vector<16xf32>
      %reduce_sum3A = arith.constant true
      %reduce_sum3A_80 = vector.broadcast %reduce_sum3A : i1 to vector<16xi1>
      %reduce_sum3A_81 = tpu.scan <sum>, %add3A_77 masked %reduce_sum3A_80 : vector<16xf32>, vector<16xi1> -> vector<16xf32>
      %reduce_sum3A_82 = vector.extract %reduce_sum3A_81[15] : f32 from vector<16xf32>
      %add3A_83 = vector.broadcast %reduce_sum3A_82 : f32 to vector<16xf32>
      %add3A_84 = arith.addf %broadcast_in_dim3A_79, %add3A_83 : vector<16xf32>
      tpu.vector_store_idx %arg8[%add3A_48], %add3A_84 masked %eq3A_7 : memref<8xf32, #tpu.memory_space<vmem>>[vector<16xi32>], vector<16xf32>, vector<16xi1>
    }
    %scan3A_45 = arith.constant 8 : i32
    "tpu.region"() ({
      %run_scoped3A = tpu.sem_alloc : memref<!tpu.dma_semaphore, #tpu.memory_space<semaphore_mem>>
      %dma_start3A = tpu.memref_slice %arg4[%mul3A_2] : memref<256xf32, #tpu.memory_space<hbm>> -> memref<8xf32, #tpu.memory_space<hbm>>
      %dma_start3A_46 = tpu.memref_slice %arg4[%mul3A_2] : memref<256xf32, #tpu.memory_space<hbm>> -> memref<8xf32, #tpu.memory_space<hbm>>
      tpu.enqueue_dma source(%arg8 : memref<8xf32, #tpu.memory_space<vmem>>) target(%dma_start3A_46 : memref<8xf32, #tpu.memory_space<hbm>>) target_semaphore(%run_scoped3A : memref<!tpu.dma_semaphore, #tpu.memory_space<semaphore_mem>>)
      %dma_wait3A = tpu.memref_slice %arg4[%mul3A_2] : memref<256xf32, #tpu.memory_space<hbm>> -> memref<8xf32, #tpu.memory_space<hbm>>
      %dma_wait3A_47 = tpu.memref_slice %arg4[%mul3A_2] : memref<256xf32, #tpu.memory_space<hbm>> -> memref<8xf32, #tpu.memory_space<hbm>>
      tpu.wait_dma2 semaphore(%run_scoped3A : memref<!tpu.dma_semaphore, #tpu.memory_space<semaphore_mem>>) src(%arg8 : memref<8xf32, #tpu.memory_space<vmem>>) dst(%dma_wait3A_47 : memref<8xf32, #tpu.memory_space<hbm>>)
      tpu.yield
    }) : () -> ()
    return
  }
}

module attributes {stable_mosaic.version = 14 : i64} {
  func.func @_tc_body(%arg0: i32, %arg1: memref<3840x200xi32, #tpu.memory_space<vmem>>, %arg2: memref<200x128xf32, #tpu.memory_space<vmem>>, %arg3: memref<200x128xf32, #tpu.memory_space<vmem>>, %arg4: memref<3840x1xf32, #tpu.memory_space<vmem>>) attributes {dimension_semantics = [#tpu.dimension_semantics<arbitrary>], iteration_bounds = array<i64: 1>, scalar_prefetch = 0 : i64, scratch_operands = 0 : i64, tpu.core_type = #tpu.core_type<tc>, window_params = [{transform_indices = @transform_0, window_bounds = array<i64: 3840, 200>}, {pipeline_mode = #tpu.pipeline_mode<synchronous>, transform_indices = @transform_1, window_bounds = array<i64: 200, 128>}, {pipeline_mode = #tpu.pipeline_mode<synchronous>, transform_indices = @transform_2, window_bounds = array<i64: 200, 128>}, {pipeline_mode = #tpu.pipeline_mode<synchronous>, transform_indices = @transform_3, window_bounds = array<i64: 3840, 1>}]} {
    %get3A = arith.constant 0 : index
    %get3A_0 = arith.constant 0 : index
    %get3A_1 = vector.load %arg1[%get3A, %get3A_0] : memref<3840x200xi32, #tpu.memory_space<vmem>>, vector<3840x200xi32>
    %convert_element_type3A = arith.sitofp %get3A_1 : vector<3840x200xi32> to vector<3840x200xf32>
    %get3A_2 = arith.constant 0 : index
    %get3A_3 = arith.constant 0 : index
    %get3A_4 = vector.load %arg2[%get3A_2, %get3A_3] : memref<200x128xf32, #tpu.memory_space<vmem>>, vector<200x128xf32>
    %get3A_5 = arith.constant 0 : index
    %get3A_6 = arith.constant 0 : index
    %get3A_7 = vector.load %arg3[%get3A_5, %get3A_6] : memref<200x128xf32, #tpu.memory_space<vmem>>, vector<200x128xf32>
    %abs3A = math.absf %get3A_4 : vector<200x128xf32>
    %log3A = math.log %abs3A : vector<200x128xf32>
    %abs3A_8 = math.absf %get3A_7 : vector<200x128xf32>
    %log3A_9 = math.log %abs3A_8 : vector<200x128xf32>
    %sub3A = arith.subf %log3A_9, %log3A : vector<200x128xf32>
    %reduce_sum3A = arith.constant dense<0.000000e+00> : vector<128xf32>
    %reduce_sum3A_10 = vector.multi_reduction <add>, %log3A, %reduce_sum3A [0] : vector<200x128xf32> to vector<128xf32>
    %broadcast_in_dim3A = vector.shape_cast %reduce_sum3A_10 : vector<128xf32> to vector<1x128xf32>
    %lt3A = arith.constant 0.000000e+00 : f32
    %lt3A_11 = vector.broadcast %lt3A : f32 to vector<200x128xf32>
    %lt3A_12 = arith.cmpf olt, %get3A_4, %lt3A_11 : vector<200x128xf32>
    %convert_element_type3A_13 = arith.extui %lt3A_12 : vector<200x128xi1> to vector<200x128xi32>
    %convert_element_type3A_14 = arith.sitofp %convert_element_type3A_13 : vector<200x128xi32> to vector<200x128xf32>
    %lt3A_15 = arith.constant 0.000000e+00 : f32
    %lt3A_16 = vector.broadcast %lt3A_15 : f32 to vector<200x128xf32>
    %lt3A_17 = arith.cmpf olt, %get3A_7, %lt3A_16 : vector<200x128xf32>
    %convert_element_type3A_18 = arith.extui %lt3A_17 : vector<200x128xi1> to vector<200x128xi32>
    %convert_element_type3A_19 = arith.sitofp %convert_element_type3A_18 : vector<200x128xi32> to vector<200x128xf32>
    %sub3A_20 = arith.subf %convert_element_type3A_19, %convert_element_type3A_14 : vector<200x128xf32>
    %reduce_sum3A_21 = arith.constant dense<0.000000e+00> : vector<128xf32>
    %reduce_sum3A_22 = vector.multi_reduction <add>, %convert_element_type3A_14, %reduce_sum3A_21 [0] : vector<200x128xf32> to vector<128xf32>
    %broadcast_in_dim3A_23 = vector.shape_cast %reduce_sum3A_22 : vector<128xf32> to vector<1x128xf32>
    %dot_general3A = arith.constant dense<0.000000e+00> : vector<3840x128xf32>
    %dot_general3A_24 = tpu.matmul %convert_element_type3A, %sub3A, %dot_general3A {dimension_numbers = #tpu.dot_dimension_numbers<[1], [0], [0], [1], [0, 0, 1, 1], [], []>, transpose_lhs_hint = false} : vector<3840x200xf32>, vector<200x128xf32>, vector<3840x128xf32> -> vector<3840x128xf32>
    %add3A = vector.broadcast %broadcast_in_dim3A : vector<1x128xf32> to vector<3840x128xf32>
    %add3A_25 = arith.addf %dot_general3A_24, %add3A : vector<3840x128xf32>
    %dot_general3A_26 = arith.constant dense<0.000000e+00> : vector<3840x128xf32>
    %dot_general3A_27 = tpu.matmul %convert_element_type3A, %sub3A_20, %dot_general3A_26 {dimension_numbers = #tpu.dot_dimension_numbers<[1], [0], [0], [1], [0, 0, 1, 1], [], []>, transpose_lhs_hint = false} : vector<3840x200xf32>, vector<200x128xf32>, vector<3840x128xf32> -> vector<3840x128xf32>
    %add3A_28 = vector.broadcast %broadcast_in_dim3A_23 : vector<1x128xf32> to vector<3840x128xf32>
    %add3A_29 = arith.addf %dot_general3A_27, %add3A_28 : vector<3840x128xf32>
    %convert_element_type3A_30 = arith.fptosi %add3A_29 : vector<3840x128xf32> to vector<3840x128xi32>
    %and3A = arith.constant 1 : i32
    %and3A_31 = vector.broadcast %and3A : i32 to vector<3840x128xi32>
    %and3A_32 = arith.andi %convert_element_type3A_30, %and3A_31 : vector<3840x128xi32>
    %mul3A = arith.constant 2 : i32
    %mul3A_33 = vector.broadcast %mul3A : i32 to vector<3840x128xi32>
    %mul3A_34 = arith.muli %mul3A_33, %and3A_32 : vector<3840x128xi32>
    %sub3A_35 = arith.constant 1 : i32
    %sub3A_36 = vector.broadcast %sub3A_35 : i32 to vector<3840x128xi32>
    %sub3A_37 = arith.subi %sub3A_36, %mul3A_34 : vector<3840x128xi32>
    %convert_element_type3A_38 = arith.sitofp %sub3A_37 : vector<3840x128xi32> to vector<3840x128xf32>
    %exp3A = math.exp %add3A_25 : vector<3840x128xf32>
    %mul3A_39 = arith.mulf %convert_element_type3A_38, %exp3A : vector<3840x128xf32>
    %reduce_sum3A_40 = arith.constant dense<0.000000e+00> : vector<3840xf32>
    %reduce_sum3A_41 = vector.multi_reduction <add>, %mul3A_39, %reduce_sum3A_40 [1] : vector<3840x128xf32> to vector<3840xf32>
    %broadcast_in_dim3A_42 = vector.shape_cast %reduce_sum3A_41 : vector<3840xf32> to vector<3840x1xf32>
    %swap3A = arith.constant 0 : index
    %swap3A_43 = arith.constant 0 : index
    %swap3A_44 = vector.load %arg4[%swap3A, %swap3A_43] : memref<3840x1xf32, #tpu.memory_space<vmem>>, vector<3840x1xf32>
    tpu.vector_store %arg4[%swap3A, %swap3A_43], %broadcast_in_dim3A_42 {strides = array<i32>} : memref<3840x1xf32, #tpu.memory_space<vmem>>, vector<3840x1xf32>,
    return
  }
  func.func @transform_0(%arg0: i32) -> (i32, i32) {
    %c0_i32 = arith.constant 0 : i32
    %c0_i32_0 = arith.constant 0 : i32
    %c0_i32_1 = arith.constant 0 : i32
    return %c0_i32, %c0_i32_0 : i32, i32
  }
  func.func @transform_1(%arg0: i32) -> (i32, i32) {
    %c0_i32 = arith.constant 0 : i32
    %c0_i32_0 = arith.constant 0 : i32
    %c0_i32_1 = arith.constant 0 : i32
    return %c0_i32, %c0_i32_0 : i32, i32
  }
  func.func @transform_2(%arg0: i32) -> (i32, i32) {
    %c0_i32 = arith.constant 0 : i32
    %c0_i32_0 = arith.constant 0 : i32
    %c0_i32_1 = arith.constant 0 : i32
    return %c0_i32, %c0_i32_0 : i32, i32
  }
  func.func @transform_3(%arg0: i32) -> (i32, i32) {
    %c0_i32 = arith.constant 0 : i32
    %c0_i32_0 = arith.constant 0 : i32
    %c0_i32_1 = arith.constant 0 : i32
    return %c0_i32, %c0_i32_0 : i32, i32
  }
}

module attributes {stable_mosaic.version = 14 : i64} {
  func.func @_prep_body(%arg0: i32, %arg1: memref<200x128xf32, #tpu.memory_space<vmem>>, %arg2: memref<200x128xf32, #tpu.memory_space<vmem>>, %arg3: memref<256x200xi32, #tpu.memory_space<vmem>>, %arg4: memref<200x50xf32, #tpu.memory_space<vmem>>, %arg5: memref<800x128xf32, #tpu.memory_space<vmem>>, %arg6: memref<256x50xi32, #tpu.memory_space<vmem>>) attributes {dimension_semantics = [#tpu.dimension_semantics<arbitrary>], iteration_bounds = array<i64: 1>, scalar_prefetch = 0 : i64, scratch_operands = 0 : i64, tpu.core_type = #tpu.core_type<tc>, window_params = [{pipeline_mode = #tpu.pipeline_mode<synchronous>, transform_indices = @transform_0, window_bounds = array<i64: 200, 128>}, {pipeline_mode = #tpu.pipeline_mode<synchronous>, transform_indices = @transform_1, window_bounds = array<i64: 200, 128>}, {transform_indices = @transform_2, window_bounds = array<i64: 256, 200>}, {pipeline_mode = #tpu.pipeline_mode<synchronous>, transform_indices = @transform_3, window_bounds = array<i64: 200, 50>}, {pipeline_mode = #tpu.pipeline_mode<synchronous>, transform_indices = @transform_4, window_bounds = array<i64: 800, 128>}, {pipeline_mode = #tpu.pipeline_mode<synchronous>, transform_indices = @transform_5, window_bounds = array<i64: 256, 50>}]} {
    %get3A = arith.constant 0 : index
    %get3A_0 = arith.constant 0 : index
    %get3A_1 = vector.load %arg1[%get3A, %get3A_0] : memref<200x128xf32, #tpu.memory_space<vmem>>, vector<200x128xf32>
    %reshape3A = vector.shape_cast %get3A_1 : vector<200x128xf32> to vector<50x4x128xf32>
    %get3A_2 = arith.constant 0 : index
    %get3A_3 = arith.constant 0 : index
    %get3A_4 = vector.load %arg2[%get3A_2, %get3A_3] : memref<200x128xf32, #tpu.memory_space<vmem>>, vector<200x128xf32>
    %reshape3A_5 = vector.shape_cast %get3A_4 : vector<200x128xf32> to vector<50x4x128xf32>
    %slice3A = vector.extract_strided_slice %reshape3A {offsets = [0, 0, 0], sizes = [50, 1, 128], strides = [1, 1, 1]} : vector<50x4x128xf32> to vector<50x1x128xf32>
    %squeeze3A = vector.shape_cast %slice3A : vector<50x1x128xf32> to vector<50x128xf32>
    %slice3A_6 = vector.extract_strided_slice %reshape3A {offsets = [0, 1, 0], sizes = [50, 1, 128], strides = [1, 1, 1]} : vector<50x4x128xf32> to vector<50x1x128xf32>
    %squeeze3A_7 = vector.shape_cast %slice3A_6 : vector<50x1x128xf32> to vector<50x128xf32>
    %slice3A_8 = vector.extract_strided_slice %reshape3A {offsets = [0, 2, 0], sizes = [50, 1, 128], strides = [1, 1, 1]} : vector<50x4x128xf32> to vector<50x1x128xf32>
    %squeeze3A_9 = vector.shape_cast %slice3A_8 : vector<50x1x128xf32> to vector<50x128xf32>
    %slice3A_10 = vector.extract_strided_slice %reshape3A {offsets = [0, 3, 0], sizes = [50, 1, 128], strides = [1, 1, 1]} : vector<50x4x128xf32> to vector<50x1x128xf32>
    %squeeze3A_11 = vector.shape_cast %slice3A_10 : vector<50x1x128xf32> to vector<50x128xf32>
    %slice3A_12 = vector.extract_strided_slice %reshape3A_5 {offsets = [0, 0, 0], sizes = [50, 1, 128], strides = [1, 1, 1]} : vector<50x4x128xf32> to vector<50x1x128xf32>
    %squeeze3A_13 = vector.shape_cast %slice3A_12 : vector<50x1x128xf32> to vector<50x128xf32>
    %slice3A_14 = vector.extract_strided_slice %reshape3A_5 {offsets = [0, 1, 0], sizes = [50, 1, 128], strides = [1, 1, 1]} : vector<50x4x128xf32> to vector<50x1x128xf32>
    %squeeze3A_15 = vector.shape_cast %slice3A_14 : vector<50x1x128xf32> to vector<50x128xf32>
    %slice3A_16 = vector.extract_strided_slice %reshape3A_5 {offsets = [0, 2, 0], sizes = [50, 1, 128], strides = [1, 1, 1]} : vector<50x4x128xf32> to vector<50x1x128xf32>
    %squeeze3A_17 = vector.shape_cast %slice3A_16 : vector<50x1x128xf32> to vector<50x128xf32>
    %slice3A_18 = vector.extract_strided_slice %reshape3A_5 {offsets = [0, 3, 0], sizes = [50, 1, 128], strides = [1, 1, 1]} : vector<50x4x128xf32> to vector<50x1x128xf32>
    %squeeze3A_19 = vector.shape_cast %slice3A_18 : vector<50x1x128xf32> to vector<50x128xf32>
    %get3A_20 = arith.constant 0 : index
    %get3A_21 = arith.constant 0 : index
    %get3A_22 = vector.load %arg3[%get3A_20, %get3A_21] : memref<256x200xi32, #tpu.memory_space<vmem>>, vector<256x200xi32>
    %mul3A = arith.mulf %squeeze3A, %squeeze3A_7 : vector<50x128xf32>
    %mul3A_23 = arith.mulf %mul3A, %squeeze3A_9 : vector<50x128xf32>
    %mul3A_24 = arith.mulf %mul3A_23, %squeeze3A_11 : vector<50x128xf32>
    %swap3A = arith.constant 0 : index
    %swap3A_25 = arith.constant 0 : index
    %swap3A_26 = vector.load %arg5[%swap3A, %swap3A_25] : memref<800x128xf32, #tpu.memory_space<vmem>>, vector<50x128xf32>
    tpu.vector_store %arg5[%swap3A, %swap3A_25], %mul3A_24 {strides = array<i32>} : memref<800x128xf32, #tpu.memory_space<vmem>>, vector<50x128xf32>,
    %mul3A_27 = arith.mulf %squeeze3A_13, %squeeze3A_7 : vector<50x128xf32>
    %mul3A_28 = arith.mulf %mul3A_27, %squeeze3A_9 : vector<50x128xf32>
    %mul3A_29 = arith.mulf %mul3A_28, %squeeze3A_11 : vector<50x128xf32>
    %swap3A_30 = arith.constant 50 : index
    %swap3A_31 = arith.constant 0 : index
    %swap3A_32 = vector.load %arg5[%swap3A_30, %swap3A_31] : memref<800x128xf32, #tpu.memory_space<vmem>>, vector<50x128xf32>
    tpu.vector_store %arg5[%swap3A_30, %swap3A_31], %mul3A_29 {strides = array<i32>} : memref<800x128xf32, #tpu.memory_space<vmem>>, vector<50x128xf32>,
    %mul3A_33 = arith.mulf %squeeze3A, %squeeze3A_15 : vector<50x128xf32>
    %mul3A_34 = arith.mulf %mul3A_33, %squeeze3A_9 : vector<50x128xf32>
    %mul3A_35 = arith.mulf %mul3A_34, %squeeze3A_11 : vector<50x128xf32>
    %swap3A_36 = arith.constant 100 : index
    %swap3A_37 = arith.constant 0 : index
    %swap3A_38 = vector.load %arg5[%swap3A_36, %swap3A_37] : memref<800x128xf32, #tpu.memory_space<vmem>>, vector<50x128xf32>
    tpu.vector_store %arg5[%swap3A_36, %swap3A_37], %mul3A_35 {strides = array<i32>} : memref<800x128xf32, #tpu.memory_space<vmem>>, vector<50x128xf32>,
    %mul3A_39 = arith.mulf %squeeze3A_13, %squeeze3A_15 : vector<50x128xf32>
    %mul3A_40 = arith.mulf %mul3A_39, %squeeze3A_9 : vector<50x128xf32>
    %mul3A_41 = arith.mulf %mul3A_40, %squeeze3A_11 : vector<50x128xf32>
    %swap3A_42 = arith.constant 150 : index
    %swap3A_43 = arith.constant 0 : index
    %swap3A_44 = vector.load %arg5[%swap3A_42, %swap3A_43] : memref<800x128xf32, #tpu.memory_space<vmem>>, vector<50x128xf32>
    tpu.vector_store %arg5[%swap3A_42, %swap3A_43], %mul3A_41 {strides = array<i32>} : memref<800x128xf32, #tpu.memory_space<vmem>>, vector<50x128xf32>,
    %mul3A_45 = arith.mulf %squeeze3A, %squeeze3A_7 : vector<50x128xf32>
    %mul3A_46 = arith.mulf %mul3A_45, %squeeze3A_17 : vector<50x128xf32>
    %mul3A_47 = arith.mulf %mul3A_46, %squeeze3A_11 : vector<50x128xf32>
    %swap3A_48 = arith.constant 200 : index
    %swap3A_49 = arith.constant 0 : index
    %swap3A_50 = vector.load %arg5[%swap3A_48, %swap3A_49] : memref<800x128xf32, #tpu.memory_space<vmem>>, vector<50x128xf32>
    tpu.vector_store %arg5[%swap3A_48, %swap3A_49], %mul3A_47 {strides = array<i32>} : memref<800x128xf32, #tpu.memory_space<vmem>>, vector<50x128xf32>,
    %mul3A_51 = arith.mulf %squeeze3A_13, %squeeze3A_7 : vector<50x128xf32>
    %mul3A_52 = arith.mulf %mul3A_51, %squeeze3A_17 : vector<50x128xf32>
    %mul3A_53 = arith.mulf %mul3A_52, %squeeze3A_11 : vector<50x128xf32>
    %swap3A_54 = arith.constant 250 : index
    %swap3A_55 = arith.constant 0 : index
    %swap3A_56 = vector.load %arg5[%swap3A_54, %swap3A_55] : memref<800x128xf32, #tpu.memory_space<vmem>>, vector<50x128xf32>
    tpu.vector_store %arg5[%swap3A_54, %swap3A_55], %mul3A_53 {strides = array<i32>} : memref<800x128xf32, #tpu.memory_space<vmem>>, vector<50x128xf32>,
    %mul3A_57 = arith.mulf %squeeze3A, %squeeze3A_15 : vector<50x128xf32>
    %mul3A_58 = arith.mulf %mul3A_57, %squeeze3A_17 : vector<50x128xf32>
    %mul3A_59 = arith.mulf %mul3A_58, %squeeze3A_11 : vector<50x128xf32>
    %swap3A_60 = arith.constant 300 : index
    %swap3A_61 = arith.constant 0 : index
    %swap3A_62 = vector.load %arg5[%swap3A_60, %swap3A_61] : memref<800x128xf32, #tpu.memory_space<vmem>>, vector<50x128xf32>
    tpu.vector_store %arg5[%swap3A_60, %swap3A_61], %mul3A_59 {strides = array<i32>} : memref<800x128xf32, #tpu.memory_space<vmem>>, vector<50x128xf32>,
    %mul3A_63 = arith.mulf %squeeze3A_13, %squeeze3A_15 : vector<50x128xf32>
    %mul3A_64 = arith.mulf %mul3A_63, %squeeze3A_17 : vector<50x128xf32>
    %mul3A_65 = arith.mulf %mul3A_64, %squeeze3A_11 : vector<50x128xf32>
    %swap3A_66 = arith.constant 350 : index
    %swap3A_67 = arith.constant 0 : index
    %swap3A_68 = vector.load %arg5[%swap3A_66, %swap3A_67] : memref<800x128xf32, #tpu.memory_space<vmem>>, vector<50x128xf32>
    tpu.vector_store %arg5[%swap3A_66, %swap3A_67], %mul3A_65 {strides = array<i32>} : memref<800x128xf32, #tpu.memory_space<vmem>>, vector<50x128xf32>,
    %mul3A_69 = arith.mulf %squeeze3A, %squeeze3A_7 : vector<50x128xf32>
    %mul3A_70 = arith.mulf %mul3A_69, %squeeze3A_9 : vector<50x128xf32>
    %mul3A_71 = arith.mulf %mul3A_70, %squeeze3A_19 : vector<50x128xf32>
    %swap3A_72 = arith.constant 400 : index
    %swap3A_73 = arith.constant 0 : index
    %swap3A_74 = vector.load %arg5[%swap3A_72, %swap3A_73] : memref<800x128xf32, #tpu.memory_space<vmem>>, vector<50x128xf32>
    tpu.vector_store %arg5[%swap3A_72, %swap3A_73], %mul3A_71 {strides = array<i32>} : memref<800x128xf32, #tpu.memory_space<vmem>>, vector<50x128xf32>,
    %mul3A_75 = arith.mulf %squeeze3A_13, %squeeze3A_7 : vector<50x128xf32>
    %mul3A_76 = arith.mulf %mul3A_75, %squeeze3A_9 : vector<50x128xf32>
    %mul3A_77 = arith.mulf %mul3A_76, %squeeze3A_19 : vector<50x128xf32>
    %swap3A_78 = arith.constant 450 : index
    %swap3A_79 = arith.constant 0 : index
    %swap3A_80 = vector.load %arg5[%swap3A_78, %swap3A_79] : memref<800x128xf32, #tpu.memory_space<vmem>>, vector<50x128xf32>
    tpu.vector_store %arg5[%swap3A_78, %swap3A_79], %mul3A_77 {strides = array<i32>} : memref<800x128xf32, #tpu.memory_space<vmem>>, vector<50x128xf32>,
    %mul3A_81 = arith.mulf %squeeze3A, %squeeze3A_15 : vector<50x128xf32>
    %mul3A_82 = arith.mulf %mul3A_81, %squeeze3A_9 : vector<50x128xf32>
    %mul3A_83 = arith.mulf %mul3A_82, %squeeze3A_19 : vector<50x128xf32>
    %swap3A_84 = arith.constant 500 : index
    %swap3A_85 = arith.constant 0 : index
    %swap3A_86 = vector.load %arg5[%swap3A_84, %swap3A_85] : memref<800x128xf32, #tpu.memory_space<vmem>>, vector<50x128xf32>
    tpu.vector_store %arg5[%swap3A_84, %swap3A_85], %mul3A_83 {strides = array<i32>} : memref<800x128xf32, #tpu.memory_space<vmem>>, vector<50x128xf32>,
    %mul3A_87 = arith.mulf %squeeze3A_13, %squeeze3A_15 : vector<50x128xf32>
    %mul3A_88 = arith.mulf %mul3A_87, %squeeze3A_9 : vector<50x128xf32>
    %mul3A_89 = arith.mulf %mul3A_88, %squeeze3A_19 : vector<50x128xf32>
    %swap3A_90 = arith.constant 550 : index
    %swap3A_91 = arith.constant 0 : index
    %swap3A_92 = vector.load %arg5[%swap3A_90, %swap3A_91] : memref<800x128xf32, #tpu.memory_space<vmem>>, vector<50x128xf32>
    tpu.vector_store %arg5[%swap3A_90, %swap3A_91], %mul3A_89 {strides = array<i32>} : memref<800x128xf32, #tpu.memory_space<vmem>>, vector<50x128xf32>,
    %mul3A_93 = arith.mulf %squeeze3A, %squeeze3A_7 : vector<50x128xf32>
    %mul3A_94 = arith.mulf %mul3A_93, %squeeze3A_17 : vector<50x128xf32>
    %mul3A_95 = arith.mulf %mul3A_94, %squeeze3A_19 : vector<50x128xf32>
    %swap3A_96 = arith.constant 600 : index
    %swap3A_97 = arith.constant 0 : index
    %swap3A_98 = vector.load %arg5[%swap3A_96, %swap3A_97] : memref<800x128xf32, #tpu.memory_space<vmem>>, vector<50x128xf32>
    tpu.vector_store %arg5[%swap3A_96, %swap3A_97], %mul3A_95 {strides = array<i32>} : memref<800x128xf32, #tpu.memory_space<vmem>>, vector<50x128xf32>,
    %mul3A_99 = arith.mulf %squeeze3A_13, %squeeze3A_7 : vector<50x128xf32>
    %mul3A_100 = arith.mulf %mul3A_99, %squeeze3A_17 : vector<50x128xf32>
    %mul3A_101 = arith.mulf %mul3A_100, %squeeze3A_19 : vector<50x128xf32>
    %swap3A_102 = arith.constant 650 : index
    %swap3A_103 = arith.constant 0 : index
    %swap3A_104 = vector.load %arg5[%swap3A_102, %swap3A_103] : memref<800x128xf32, #tpu.memory_space<vmem>>, vector<50x128xf32>
    tpu.vector_store %arg5[%swap3A_102, %swap3A_103], %mul3A_101 {strides = array<i32>} : memref<800x128xf32, #tpu.memory_space<vmem>>, vector<50x128xf32>,
    %mul3A_105 = arith.mulf %squeeze3A, %squeeze3A_15 : vector<50x128xf32>
    %mul3A_106 = arith.mulf %mul3A_105, %squeeze3A_17 : vector<50x128xf32>
    %mul3A_107 = arith.mulf %mul3A_106, %squeeze3A_19 : vector<50x128xf32>
    %swap3A_108 = arith.constant 700 : index
    %swap3A_109 = arith.constant 0 : index
    %swap3A_110 = vector.load %arg5[%swap3A_108, %swap3A_109] : memref<800x128xf32, #tpu.memory_space<vmem>>, vector<50x128xf32>
    tpu.vector_store %arg5[%swap3A_108, %swap3A_109], %mul3A_107 {strides = array<i32>} : memref<800x128xf32, #tpu.memory_space<vmem>>, vector<50x128xf32>,
    %mul3A_111 = arith.mulf %squeeze3A_13, %squeeze3A_15 : vector<50x128xf32>
    %mul3A_112 = arith.mulf %mul3A_111, %squeeze3A_17 : vector<50x128xf32>
    %mul3A_113 = arith.mulf %mul3A_112, %squeeze3A_19 : vector<50x128xf32>
    %swap3A_114 = arith.constant 750 : index
    %swap3A_115 = arith.constant 0 : index
    %swap3A_116 = vector.load %arg5[%swap3A_114, %swap3A_115] : memref<800x128xf32, #tpu.memory_space<vmem>>, vector<50x128xf32>
    tpu.vector_store %arg5[%swap3A_114, %swap3A_115], %mul3A_113 {strides = array<i32>} : memref<800x128xf32, #tpu.memory_space<vmem>>, vector<50x128xf32>,
    %convert_element_type3A = arith.sitofp %get3A_22 : vector<256x200xi32> to vector<256x200xf32>
    %get3A_117 = arith.constant 0 : index
    %get3A_118 = arith.constant 0 : index
    %get3A_119 = vector.load %arg4[%get3A_117, %get3A_118] : memref<200x50xf32, #tpu.memory_space<vmem>>, vector<200x50xf32>
    %dot_general3A = arith.constant dense<0.000000e+00> : vector<256x50xf32>
    %dot_general3A_120 = tpu.matmul %convert_element_type3A, %get3A_119, %dot_general3A {dimension_numbers = #tpu.dot_dimension_numbers<[1], [0], [0], [1], [0, 0, 1, 1], [], []>, transpose_lhs_hint = false} : vector<256x200xf32>, vector<200x50xf32>, vector<256x50xf32> -> vector<256x50xf32>
    %convert_element_type3A_121 = arith.fptosi %dot_general3A_120 : vector<256x50xf32> to vector<256x50xi32>
    %iota3A = tpu.iota {dimensions = array<i32: 1>} : vector<256x50xi32>
    %mul3A_122 = arith.constant 50 : i32
    %mul3A_123 = vector.broadcast %mul3A_122 : i32 to vector<256x50xi32>
    %mul3A_124 = arith.muli %convert_element_type3A_121, %mul3A_123 : vector<256x50xi32>
    %add3A = arith.addi %mul3A_124, %iota3A : vector<256x50xi32>
    %swap3A_125 = arith.constant 0 : index
    %swap3A_126 = arith.constant 0 : index
    %swap3A_127 = vector.load %arg6[%swap3A_125, %swap3A_126] : memref<256x50xi32, #tpu.memory_space<vmem>>, vector<256x50xi32>
    tpu.vector_store %arg6[%swap3A_125, %swap3A_126], %add3A {strides = array<i32>} : memref<256x50xi32, #tpu.memory_space<vmem>>, vector<256x50xi32>,
    return
  }
  func.func @transform_0(%arg0: i32) -> (i32, i32) {
    %c0_i32 = arith.constant 0 : i32
    %c0_i32_0 = arith.constant 0 : i32
    %c0_i32_1 = arith.constant 0 : i32
    return %c0_i32, %c0_i32_0 : i32, i32
  }
  func.func @transform_1(%arg0: i32) -> (i32, i32) {
    %c0_i32 = arith.constant 0 : i32
    %c0_i32_0 = arith.constant 0 : i32
    %c0_i32_1 = arith.constant 0 : i32
    return %c0_i32, %c0_i32_0 : i32, i32
  }
  func.func @transform_2(%arg0: i32) -> (i32, i32) {
    %c15_i32 = arith.constant 15 : i32
    %c0_i32 = arith.constant 0 : i32
    %c0_i32_0 = arith.constant 0 : i32
    return %c15_i32, %c0_i32 : i32, i32
  }
  func.func @transform_3(%arg0: i32) -> (i32, i32) {
    %c0_i32 = arith.constant 0 : i32
    %c0_i32_0 = arith.constant 0 : i32
    %c0_i32_1 = arith.constant 0 : i32
    return %c0_i32, %c0_i32_0 : i32, i32
  }
  func.func @transform_4(%arg0: i32) -> (i32, i32) {
    %c0_i32 = arith.constant 0 : i32
    %c0_i32_0 = arith.constant 0 : i32
    %c0_i32_1 = arith.constant 0 : i32
    return %c0_i32, %c0_i32_0 : i32, i32
  }
  func.func @transform_5(%arg0: i32) -> (i32, i32) {
    %c0_i32 = arith.constant 0 : i32
    %c0_i32_0 = arith.constant 0 : i32
    %c0_i32_1 = arith.constant 0 : i32
    return %c0_i32, %c0_i32_0 : i32, i32
  }
}

</mosaic_0001>

<sc_bundles>
// kernel: kernel.5.cloned.1.call-start
scs
__scs_entry_jumppad:
0x0: {  	(pc) =	sbr.rel $0x88, $3  }
0x1: {  	(tag) =	ssettag $0x0;
	lr =	simm.s32 $0x1  }
0x2: {  	[smem:$0x3F9F] =	sst lr;
	_ =	strace $0xD0000000  }
0x3: {  	_ = 	snop  }
0x4: {  	_ = 	snop  }
0x5: {  	_ = 	snop  }
0x6: {  	_ = 	snop  }
0x7: {  	_ = 	snop  }
__scs_overlays_trampoline_lowered:
0x8: {  	[smem:$0x3FAE] =	sst s0  }
0x9: {  	[smem:$0x3FAF] =	sst s1  }
0xa: {  	[smem:$0x3FB0] =	sst s2  }
0xb: {  	[smem:$0x3FB1] =	sst s3  }
0xc: {  	[smem:$0x3FB2] =	sst s4  }
0xd: {  	[smem:$0x3FB3] =	sst s5  }
0xe: {  	[smem:$0x3FB4] =	sst s6  }
0xf: {  	[smem:$0x3FB5] =	sst s7  }
0x10: {  	[smem:$0x3FB6] =	sst s8  }
0x11: {  	[smem:$0x3FB7] =	sst s9;
	s0 =	simm.s32 @!p0 $0x0  }
0x12: {  	s1 =	sld [smem:$0x3F9D];
	s0 =	simm.s32 @p0 $0x1  }
0x13: {  	[smem:$0x3FB8] =	sst s0;
	s0 =	simm.s32 @!p1 $0x0  }
0x14: {  	s2 =	sld [smem:$0x3F9C];
	s0 =	simm.s32 @p1 $0x1  }
0x15: {  	[smem:$0x3FB9] =	sst s0;
	s0 =	simm.s32 @!p2 $0x0  }
0x16: {  	s3 =	sld [smem:$0x3FDB];
	s0 =	simm.s32 @p2 $0x1  }
0x17: {  	s4 =	simm.s32 $0x1BF5;
	[smem:$0x3FBB] =	sst s0  }
0x18: {  	s0 =	sld [smem:$0x3F9E];
	_ =	swait.ge [sflag:s4], $0x0  }
0x19: {  	s7 =	sld [smem:$0x3F9F]  }
0x1a: {  	s8 =	sadd.s32 $0xFFFFE003, lr  }
0x1b: {  	s9 =	sadd.s32 $0xFFFFFEF7, lr;
	s5 =	simm.s32 $0xFFFFFFFF;
	p2 =	slt.u32 s8, $0xFFFFF086  }
0x1c: {  	p1 =	slt.u32 s9, $0xF7A;
	s5 =	simm.s32 @!p2 $0x0  }
0x1d: {  	s5 =	simm.s32 @p1 $0x1;
	p0 =	seq.s32 s7, s2  }
0x1e: {  	s7 =	smul.u32 @!p0 $0xF7A, s2;
	p2 =	seq.s32 @!p0 s5, $0x0  }
0x1f: {  	s9 =	smul.u32 $0xF7A, s1;
	s8 =	simm.s32 @!p0 $0x1BF5;
	p2 =	por !p2, p0  }
0x20: {  	[sflag:s8] =	ssyncset.s32 @!p0 $0xFFFFF086;
	s6 =	sadd.s32 @!p0 s3, s7;
	s7 =	simm.s32 @!p0 $0x108  }
0x21: {  	s3 =	sadd.s32 s3, s9;
	s6 =	sadd.s32 @!p0 $0x88, s6;
	s7 =	simm.s32 @p2 $0x1082  }
0x22: {  	[simem:s7], [sflag:s8] =	dma.local @!p0 [hbm:s6], $0xF7A  }
0x23: {  	s9 =	sor.u32 $0xD0000000, s2;
	s6 =	simm.s32 $0x108;
	_ =	swait.ge @!p0 [sflag:s8], $0x0  }
0x24: {  	s3 =	sadd.s32 $0x88, s3;
	s6 =	simm.s32 @!p1 $0x1082;
	[sflag:s4] =	ssyncset.s32 $0xFFFFF086  }
0x25: {  	[simem:s6], [sflag:s4] =	dma.local [hbm:s3], $0xF7A  }
0x26: {  	[smem:$0x3F9F] =	sst s1;
	(tag) =	ssettag s2;
	_ =	strace s9  }
0x27: {  	s1 =	sld [smem:$0x3FAF]  }
0x28: {  	s2 =	sld [smem:$0x3FB0]  }
0x29: {  	s4 =	sld [smem:$0x3FB2]  }
0x2a: {  	p0 =	seq.s32 s5, $0x0;
	s5 =	sld [smem:$0x3FB3]  }
0x2b: {  	s6 =	sld [smem:$0x3FB4]  }
0x2c: {  	s7 =	sld [smem:$0x3FB5]  }
0x2d: {  	s3 =	simm.s32 $0x108;
	s8 =	sld [smem:$0x3FB6]  }
0x2e: {  	s3 =	simm.s32 @!p0 $0x1082;
	s9 =	sld [smem:$0x3FB7]  }
0x2f: {  	lr =	sadd.s32 s0, s3;
	s0 =	sld [smem:$0x3FAE]  }
0x30: {  	s3 =	sld [smem:$0x3FB1]  }
0x31: {  	[smem:$0x3FBA] =	sst s10  }
0x32: {  	s10 =	sld [smem:$0x3FB8];
	_ =	sdelay $0x3  }
0x33: {  	p0 =	seq.s32 s10, $0x1;
	s10 =	sld [smem:$0x3FBA];
	_ =	sdelay $0x3  }
0x34: {  	[smem:$0x3FBA] =	sst s10  }
0x35: {  	s10 =	sld [smem:$0x3FB9];
	_ =	sdelay $0x3  }
0x36: {  	p1 =	seq.s32 s10, $0x1;
	s10 =	sld [smem:$0x3FBA];
	_ =	sdelay $0x3  }
0x37: {  	[smem:$0x3FBA] =	sst s10  }
0x38: {  	s10 =	sld [smem:$0x3FBB]  }
0x39: {  	_ = 	snop;
	(pc) =	sbr.ind lr, $3  }
0x3a: {  	_ = 	snop  }
0x3b: {  	_ = 	snop  }
0x3c: {  	p2 =	seq.s32 s10, $0x1;
	s10 =	sld [smem:$0x3FBA]  }
0x3d: {  	_ =	shalt  }
0x3e: {  	_ =	shalt  }
0x3f: {  	_ =	shalt  }
0x40: {  	_ =	shalt  }
0x41: {  	_ =	shalt  }
0x42: {  	_ =	shalt  }
0x43: {  	_ =	shalt  }
0x44: {  	_ =	shalt  }
0x45: {  	_ =	shalt  }
0x46: {  	_ =	shalt  }
0x47: {  	_ =	shalt  }
0x48: {  	_ =	shalt  }
0x49: {  	_ =	shalt  }
0x4a: {  	_ =	shalt  }
0x4b: {  	_ =	shalt  }
0x4c: {  	_ =	shalt  }
0x4d: {  	_ =	shalt  }
0x4e: {  	_ =	shalt  }
0x4f: {  	_ =	shalt  }
0x50: {  	_ =	shalt  }
0x51: {  	_ =	shalt  }
0x52: {  	_ =	shalt  }
0x53: {  	_ =	shalt  }
0x54: {  	_ =	shalt  }
0x55: {  	_ =	shalt  }
0x56: {  	_ =	shalt  }
0x57: {  	_ =	shalt  }
0x58: {  	_ =	shalt  }
0x59: {  	_ =	shalt  }
0x5a: {  	_ =	shalt  }
0x5b: {  	_ =	shalt  }
0x5c: {  	_ =	shalt  }
0x5d: {  	_ =	shalt  }
0x5e: {  	_ =	shalt  }
0x5f: {  	_ =	shalt  }
0x60: {  	_ =	shalt  }
0x61: {  	_ =	shalt  }
0x62: {  	_ =	shalt  }
0x63: {  	_ =	shalt  }
0x64: {  	_ =	shalt  }
0x65: {  	_ =	shalt  }
0x66: {  	_ =	shalt  }
0x67: {  	_ =	shalt  }
0x68: {  	_ =	shalt  }
0x69: {  	_ =	shalt  }
0x6a: {  	_ =	shalt  }
0x6b: {  	_ =	shalt  }
0x6c: {  	_ =	shalt  }
0x6d: {  	_ =	shalt  }
0x6e: {  	_ =	shalt  }
0x6f: {  	_ =	shalt  }
0x70: {  	_ =	shalt  }
0x71: {  	_ =	shalt  }
0x72: {  	_ =	shalt  }
0x73: {  	_ =	shalt  }
0x74: {  	_ =	shalt  }
0x75: {  	_ =	shalt  }
0x76: {  	_ =	shalt  }
0x77: {  	_ =	shalt  }
0x78: {  	_ =	shalt  }
0x79: {  	_ =	shalt  }
0x7a: {  	_ =	shalt  }
0x7b: {  	_ =	shalt  }
0x7c: {  	_ =	shalt  }
0x7d: {  	_ =	shalt  }
0x7e: {  	_ =	shalt  }
0x7f: {  	_ =	shalt  }
0x80: {  	_ =	shalt  }
0x81: {  	_ =	shalt  }
0x82: {  	_ =	shalt  }
0x83: {  	_ =	shalt  }
0x84: {  	_ =	shalt  }
0x85: {  	_ =	shalt  }
0x86: {  	_ =	shalt  }
0x87: {  	_ =	shalt  }
.Lfunc_end0:
.L_simem_size_0:
called_computation_lowered:
.L_overlay_start_0:
0x88: {  	s2 =	sld [smem:$0x3FD9]  }
0x89: {  	s3 =	sld [smem:$0x3FFE];
	_ =	sdelay $0x1  }
0x8a: {  	s1 =	srdreg.scid  }
0x8b: {  	s0 =	sand.u32 $0x1, s1  }
0x8c: {  	s16 =	sshll.u32 s0, $0xA;
	s2 =	sadd.s32 s3, s2  }
0x8d: {  	s2 =	sadd.s32 s2, s16  }
0x8e: {  	[smem:$0x3FC6] =	sst s2  }
0x8f: {  	_ = 	snop  }
0x90: {  	(tm) =	ssettm $0x1  }
0x91: {  	s17 =	sld [smem:$0x3FFB];
	_ =	sdelay $0x3  }
0x92: {  	_ =	strace s17  }
0x93: {  	s2 =	sld [smem:$0x3FFC];
	_ =	sdelay $0x3  }
0x94: {  	_ =	strace s2  }
0x95: {  	s2 =	sld [smem:$0x3FFD];
	_ =	sdelay $0x3  }
0x96: {  	_ =	strace s2  }
0x97: {  	_ =	strace $0x8FFFFFFF  }
0x98: {  	s18 =	sld [smem:$0x3FDB];
	_ =	sdelay $0x1  }
0x99: {  	s19 =	simm.s32 $_scs_section_size  }
0x9a: {  	s4 =	simm.s32 $_size__tile_overlayer_lowered;
	s5 =	simm.s32 $_tile_overlayer_lowered  }
0x9b: {  	s22 =	simm.s32 $0x1BFF;
	s21 =	sshll.u32 s5, $0x1;
	s2 =	sadd.s32 s19, s18  }
0x9c: {  	s6 =	simm.s32 $0x0;
	s20 =	sshll.u32 s4, $0x1;
	s4 =	sadd.s32 s21, s2  }
0x9d: {  	[timem:s6], [sflag:s22] =	dma.local [hbm:s4], s20  }
0x9e: {  	_ =	swait.ge [sflag:s22], s20  }
0x9f: {  	s3 =	ssub.s32 $0x0, s20;
	[sflag:s22] =	ssyncset.done $0x0  }
0xa0: {  	[sflag:s22] =	ssyncadd.s32 s3;
	_ =	sdelay $0x1  }
0xa1: {  	s23 =	simm.s32 $0x1B8B  }
0xa2: {  	_ =	swait.ge [sflag:s23], $0x1  }
0xa3: {  	[sflag:s23] =	ssyncset.done $0x0  }
0xa4: {  	s25 =	simm.s32 $0x1B8E;
	s24 =	sld [smem:$0x3FFE];
	[sflag:s23] =	ssyncadd.s32 $0xFFFFFFFF  }
0xa5: {  	s26 =	simm.s32 $execute0_lowered;
	[smem:$0x3FD2] =	sst s25  }
0xa6: {  	s4 =	sshll.u32 s26, $0x1;
	_ =	strace $0x80000046;
	[dreg:$0x1] =	wrdreg $0xFFFFFFFF  }
0xa7: {  	s28 =	simm.s32 $_size_execute0_lowered;
	s2 =	sadd.s32 s2, s4;
	[dreg:$0x0] =	wrdreg $0x0  }
0xa8: {  	s4 =	sshll.u32 s28, $0x1;
	[dreg:$0x2] =	wrdreg s2  }
0xa9: {  	[dreg:$0x3] =	wrdreg s4  }
0xaa: {  	[dreg:$0x4] =	wrdreg $0xC0  }
0xab: {  	_ =	task [dreg:s6], $0x5FFFF  }
0xac: {  	[dreg:$0x1] =	wrdreg $0xFFFFFFFF  }
0xad: {  	[dreg:$0x0] =	wrdreg $0x60  }
0xae: {  	[dreg:$0x2] =	wrdreg s24  }
0xaf: {  	[dreg:$0x3] =	wrdreg $0x0  }
0xb0: {  	[dreg:$0x4] =	wrdreg $0x9  }
0xb1: {  	_ =	task.clear_ibuf [dreg:s6], $0x5FFFF;
	_ =	strace $0x90000046  }
0xb2: {  	s29 =	simm.s32 $0x9;
	_ =	strace $0x80000048  }
0xb3: {  	_ =	swait.ge [sflag:s29], $0x1  }
0xb4: {  	[sflag:s29] =	ssyncadd.s32 $0xFFFFFFFF  }
0xb5: {  	_ =	strace $0x90000048  }
0xb6: {  	_ =	sfence  }
0xb7: {  	s30 =	sld [smem:$0x0];
	_ =	sdelay $0x2  }
0xb8: {  	s31 =	sshll.u32 s1, $0xD;
	s1 =	sshrl.u32 s1, $0x2  }
0xb9: {  	s3 =	sand.u32 $0x4000, s31;
	s1 =	sadd.s32 s1, s30  }
0xba: {  	s0 =	sor.u32 s3, s0;
	s1 =	sshll.u32 s1, $0x11  }
0xbb: {  	s0 =	sor.u32 s1, s0  }
0xbc: {  	s0 =	sadd.s32 $0x8F2B, s0  }
0xbd: {  	[sflag:s0] =	ssyncadd.remote.s32 $0x1  }
0xbe: {  	_ =	sfence.sel $0xFFFF  }
0xbf: {  	[dreg:$0x0] =	wrdreg $0xFFFFFFFF;
	(pc) =	sbr.abs _section_cstart, $3  }
0xc0: {  	[dreg:$0x1] =	wrdreg $0xFFFFFFFF  }
0xc1: {  	_ =	task.clear_ibuf [dreg:s6], $0x2FFFF;
	_ =	strace $0x9FFFFFFF  }
0xc2: {  	(tm) =	ssettm $0x7FFFFFFF  }
0xc3: {  	_ =	shalt  }
tec
execute0_lowered:
.L_overlay_start_1:
0x0: {  	(tag) =	ssettag $0x1  }
0x1: {  	s0 =	srdreg.scid  }
0x2: {  	s4 =	rddreg [dreg:$0x0];
	s7 =	stileid.u32  }
0x3: {  	s1 =	rddreg [dreg:$0x1];
	s2 =	simm.s32 $0x0;
	s10 =	simm.s32 $0x1A900  }
0x4: {  	s11 =	simm.s32 $0x1AAC0;
	s5 =	sand.u32 $0x1, s0;
	s0 =	rddreg [dreg:$0x2]  }
0x5: {  	s12 =	simm.s32 $0x0;
	s3 =	sshll.u32 s7, $0x4;
	[smem:$0x7FF] =	sst s2  }
0x6: {  	p0 =	sne.s32 s7, $0x0;
	s6 =	sshll.u32 s5, $0x3;
	_ =	strace $0x80000047  }
0x7: {  	s5 =	ssub.s32 $0x2, s5;
	s7 =	sshrl.u32 @!p0 s1, $0x3;
	s6 =	sor.u32 s6, s3  }
0x8: {  	v0 =	vlaneseq.u32;
	s9 =	sshrl.u32 s5, $0x1;
	s8 =	smul.u32 $0x7, s6;
	s6 =	sshrl.u32 s6, $0x3  }
0x9: {  	v1 =	vor.u32 $0x10, v0;
	s3 =	sadd.s32 $0x800, s4;
	s9 =	ssub.s32 s5, s9;
	s6 =	sadd.s32 s6, s4  }
0xa: {  	v2 =	vor.u32 $0x20, v0;
	v3 =	vor.u32 $0x30, v0;
	v4 =	vor.u32 $0x40, v0;
	s8 =	sadd.s32 s8, s4;
	s5 =	sadd.s32 $0x4200, s6;
	s6 =	smax.u32 s9, $0x1  }
0xb: {  	v5 =	vor.u32 $0x50, v0;
	v6 =	vor.u32 $0x60, v0;
	v7 =	vor.u32 $0x70, v0;
	s9 =	simm.s32 $0x1;
	s4 =	sadd.s32 $0x3A00, s8;
	s8 =	simm.s32 $0x1900  }
.LBB2_1:
0xc: {  	s13 =	simm.s32 @!p0 $0x1C01  }
0xd: {  	[spmem:s7], [sflag:s13] =	dma.local @!p0 [hbm:s3], $0x3200  }
0xe: {  	s13 =	simm.s32 @!p0 $0x1  }
0xf: {  	_ =	swait.ge @!p0 [sflag:s13], $0x3200  }
0x10: {  	[sflag:s13] =	ssyncset.done @!p0 $0x0  }
0x11: {  	[sflag:s13] =	ssyncadd.s32 @!p0 $0xFFFFCE00  }
0x12: {  	[bflag:$0x0] =	sbarrier.arrive $0xFFFF  }
0x13: {  	[tilespmem:s8], [sflag:$0x1] =	stream.linear.gather [spmem:s1], $0x19000, $0x38;
	[tilespmem:$0x1AAC8] =	vst v63  }
0x14: {  	_ =	swait.ge [sflag:s9], $0x19000  }
0x15: {  	[sflag:s9] =	ssyncset.done $0x0  }
0x16: {  	[sflag:s9] =	ssyncadd.s32 $0xFFFE7000  }
0x17: {  	[tilespmem:s10], [sflag:$0x1] =	stream.linear.gather [hbm4b:s4+s2], $0x1C0, $0x38;
	[tilespmem:$0x1AAC8] =	vst v63  }
0x18: {  	_ =	swait.ge [sflag:s9], $0x1C0  }
0x19: {  	[sflag:s9] =	ssyncset.done $0x0  }
0x1a: {  	s13 =	simm.s32 $0x0;
	[sflag:s9] =	ssyncadd.s32 $0xFFFFFE40  }
.LBB2_2:
0x1b: {  	v8 =	vmov s13;
	s14 =	simm.s32 $0x1  }
0x1c: {  	v9 =	vmul.u32 $0x38, v8;
	v10 =	vmov s14  }
0x1d: {  	v11 =	vand.u32 $0x78, v10  }
0x1e: {  	v10 =	vand.u32 $0x7, v10;
	v11 =	vadd.s32 v9, v11  }
0x1f: {  	v10 =	vor.u32 v10, v11  }
0x20: {  	s29 =	simm.s32 $0x2  }
0x21: {  	s30 =	simm.s32 $0x0;
	v11 =	vmov s29  }
0x22: {  	v13 =	vmov s30;
	v12 =	vand.u32 $0x78, v11  }
0x23: {  	v14 =	vand.u32 $0x38, v13;
	v11 =	vand.u32 $0x7, v11;
	v12 =	vadd.s32 v9, v12  }
0x24: {  	s31 =	simm.s32 $0x3;
	v13 =	vand.u32 $0x7, v13;
	v11 =	vor.u32 v11, v12;
	v12 =	vadd.s32 v9, v14;
	v10 =	vld.idx.msk [tilespmem:v10+s10+$0x0], $0xffff  }
0x25: {  	s15 =	simm.s32 $0x4;
	v14 =	vmov s31;
	v12 =	vor.u32 v13, v12  }
0x26: {  	v15 =	vmov s15;
	v13 =	vand.u32 $0x78, v14  }
0x27: {  	v16 =	vand.u32 $0x78, v15;
	v14 =	vand.u32 $0x7, v14;
	v13 =	vadd.s32 v9, v13  }
0x28: {  	v15 =	vand.u32 $0x7, v15;
	v16 =	vadd.s32 v9, v16;
	v13 =	vor.u32 v14, v13  }
0x29: {  	v14 =	vor.u32 v15, v16;
	v11 =	vld.idx.msk [tilespmem:v11+s10+$0x0], $0xffff;
	v16 =	vshll.u32 v10, $0x7  }
0x2a: {  	v10 =	vld.idx.msk [tilespmem:v12+s10+$0x0], $0xffff;
	v12 =	vor.u32 v5, v16  }
0x2b: {  	v15 =	vor.u32 v2, v16  }
0x2c: {  	v18 =	vor.u32 v1, v16  }
0x2d: {  	v13 =	vld.idx.msk [tilespmem:v13+s10+$0x0], $0xffff;
	v48 =	vor.u32 v3, v16  }
0x2e: {  	v14 =	vld.idx.msk [tilespmem:v14+s10+$0x0], $0xffff;
	v24 =	vshll.u32 v11, $0x7;
	v11 =	vor.u32 v0, v16  }
0x2f: {  	v19 =	vor.u32 v4, v24;
	v28 =	vld.idx.msk [tilespmem:v12+s8+$0x0], $0xffff  }
0x30: {  	v31 =	vor.u32 v2, v24;
	v17 =	vld.idx.msk [tilespmem:v15+s8+$0x0], $0xffff  }
0x31: {  	v25 =	vshll.u32 v10, $0x7;
	v10 =	vor.u32 v7, v16;
	v29 =	vld.idx.msk [tilespmem:v18+s8+$0x0], $0xffff  }
0x32: {  	v21 =	vor.u32 v7, v25;
	v48 =	vld.idx.msk [tilespmem:v48+s8+$0x0], $0xffff  }
0x33: {  	v23 =	vshll.u32 v13, $0x7;
	v13 =	vor.u32 v0, v25;
	v20 =	vld.idx.msk [tilespmem:v11+s8+$0x0], $0xffff  }
0x34: {  	v26 =	vor.u32 v5, v25;
	v12 =	vld.idx.msk [tilespmem:v19+s8+$0x0], $0xffff  }
0x35: {  	v22 =	vor.u32 v6, v23;
	v34 =	vld.idx.msk [tilespmem:v31+s8+$0x0], $0xffff  }
0x36: {  	v32 =	vor.u32 v6, v25;
	v18 =	vld.idx.msk [tilespmem:v10+s8+$0x0], $0xffff  }
0x37: {  	v35 =	vor.u32 v7, v24;
	v27 =	vld.idx.msk [tilespmem:v21+s8+$0x0], $0xffff  }
0x38: {  	v38 =	vor.u32 v3, v25;
	v41 =	vld.idx.msk [tilespmem:v13+s8+$0x0], $0xffff  }
0x39: {  	v13 =	vor.u32 v2, v25;
	v37 =	vld.idx.msk [tilespmem:v26+s8+$0x0], $0xffff  }
0x3a: {  	v15 =	vshll.u32 v14, $0x7;
	v10 =	vld.idx.msk [tilespmem:v22+s8+$0x0], $0xffff;
	v22 =	vor.u32 v1, v25  }
0x3b: {  	v14 =	vor.u32 v3, v15;
	v31 =	vld.idx.msk [tilespmem:v32+s8+$0x0], $0xffff  }
0x3c: {  	v43 =	vimm.f32 $1.000000000e+00;
	v30 =	vor.u32 v0, v24;
	v11 =	vor.u32 v0, v15;
	v26 =	vld.idx.msk [tilespmem:v35+s8+$0x0], $0xffff  }
0x3d: {  	v33 =	vor.u32 v3, v24;
	v49 =	vor.u32 v6, v24;
	v19 =	vor.u32 v1, v24;
	v47 =	vld.idx.msk [tilespmem:v38+s8+$0x0], $0xffff  }
0x3e: {  	v44 =	vor.u32 v5, v24;
	v52 =	vor.u32 v4, v25;
	v40 =	vor.u32 v3, v23;
	v39 =	vld.idx.msk [tilespmem:v13+s8+$0x0], $0xffff  }
0x3f: {  	v46 =	vor.u32 v5, v23;
	v36 =	vor.u32 v4, v23;
	v45 =	vor.u32 v0, v23;
	v50 =	vld.idx.msk [tilespmem:v22+s8+$0x0], $0xffff  }
0x40: {  	v24 =	vimm.f32 $1.000000000e+00;
	v38 =	vor.u32 v7, v15;
	v35 =	vimm.f32 $1.000000000e+00;
	v21 =	vld.idx.msk [tilespmem:v14+s8+$0x0], $0xffff  }
0x41: {  	v32 =	vimm.f32 $1.000000000e+00;
	v14 =	vor.u32 v6, v15;
	v11 =	vld.idx.msk [tilespmem:v11+s8+$0x0], $0xffff;
	v63 =	vmul.f32 v37, v43  }
0x42: {  	v25 =	vor.u32 v6, v16;
	v19 =	vld.idx.msk [tilespmem:v19+s8+$0x0], $0xffff;
	v13 =	vor.u32 v2, v15;
	v22 =	vor.u32 v4, v16  }
0x43: {  	v16 =	vld.idx.msk [tilespmem:v49+s8+$0x0], $0xffff;
	v49 =	vor.u32 v1, v23;
	v37 =	vmul.f32 v28, v63;
	v28 =	vimm.f32 $1.000000000e+00  }
0x44: {  	s14 =	simm.s32 $0x5;
	v42 =	vmul.f32 v39, v43;
	v39 =	vld.idx.msk [tilespmem:v52+s8+$0x0], $0xffff;
	v51 =	vmul.f32 v50, v43;
	v50 =	vor.u32 v2, v23  }
.LBB2_3:
0x45: {  	v52 =	vmov s14;
	s15 =	sadd.s32 $0x1, s14;
	s16 =	sadd.s32 $0x3, s14;
	s17 =	sadd.s32 $0x4, s14;
	v41 =	vmul.f32 v41, v43;
	v43 =	vld.idx.msk [tilespmem:v46+s8+$0x0], $0xffff;
	v23 =	vor.u32 v7, v23  }
0x46: {  	p1 =	slt.u32 s14, $0x2D;
	v46 =	vand.u32 $0x38, v52;
	v53 =	vmov s15;
	s15 =	sadd.s32 $0x2, s14;
	s14 =	sadd.s32 $0x5, s14;
	v29 =	vmul.f32 v29, v51;
	v33 =	vld.idx.msk [tilespmem:v33+s8+$0x0], $0xffff  }
0x47: {  	v28 =	vmul.f32 v47, v28;
	v46 =	vadd.s32 v9, v46;
	v51 =	vand.u32 $0x78, v53;
	v30 =	vld.idx.msk [tilespmem:v30+s8+$0x0], $0xffff  }
0x48: {  	v47 =	vand.u32 $0x7, v52;
	v52 =	vmov s17;
	v51 =	vadd.s32 v9, v51;
	v49 =	vld.idx.msk [tilespmem:v49+s8+$0x0], $0xffff  }
0x49: {  	v53 =	vand.u32 $0x7, v53;
	v54 =	vmov s15;
	v55 =	vand.u32 $0x7, v52;
	v50 =	vld.idx.msk [tilespmem:v50+s8+$0x0], $0xffff  }
0x4a: {  	v51 =	vor.u32 v53, v51;
	v53 =	vand.u32 $0x78, v54;
	v28 =	vmul.f32 v48, v28;
	v40 =	vld.idx.msk [tilespmem:v40+s8+$0x0], $0xffff  }
0x4b: {  	v52 =	vand.u32 $0x78, v52;
	v48 =	vand.u32 $0x7, v54;
	v53 =	vadd.s32 v9, v53;
	v23 =	vld.idx.msk [tilespmem:v23+s8+$0x0], $0xffff  }
0x4c: {  	v46 =	vor.u32 v47, v46;
	v47 =	vor.u32 v48, v53;
	v48 =	vadd.s32 v9, v52;
	v45 =	vld.idx.msk [tilespmem:v45+s8+$0x0], $0xffff  }
0x4d: {  	v24 =	vmul.f32 v27, v24;
	v52 =	vmov s16;
	v48 =	vor.u32 v55, v48;
	v27 =	vld.idx.msk [tilespmem:v44+s8+$0x0], $0xffff  }
0x4e: {  	v28 =	vmul.f32 v33, v28;
	v44 =	vand.u32 $0x78, v52;
	v52 =	vand.u32 $0x7, v52;
	v33 =	vld.idx.msk [tilespmem:v38+s8+$0x0], $0xffff  }
0x4f: {  	v17 =	vmul.f32 v17, v42;
	v18 =	vmul.f32 v18, v24;
	v44 =	vadd.s32 v9, v44;
	v38 =	vld.idx.msk [tilespmem:v51+s10+$0x0], $0xffff  }
0x50: {  	v20 =	vmul.f32 v20, v41;
	v24 =	vor.u32 v52, v44;
	v28 =	vmul.f32 v40, v28;
	v22 =	vld.idx.msk [tilespmem:v22+s8+$0x0], $0xffff  }
0x51: {  	v17 =	vmul.f32 v34, v17;
	v18 =	vmul.f32 v26, v18;
	v40 =	vld.idx.msk [tilespmem:v47+s10+$0x0], $0xffff  }
0x52: {  	v31 =	vmul.f32 v31, v35;
	v28 =	vmul.f32 v21, v28;
	v21 =	vor.u32 v4, v15;
	v26 =	vld.idx.msk [tilespmem:v48+s10+$0x0], $0xffff  }
0x53: {  	v20 =	vmul.f32 v30, v20;
	v18 =	vmul.f32 v23, v18;
	v23 =	vor.u32 v5, v15;
	v34 =	vld.idx.msk [tilespmem:v46+s10+$0x0], $0xffff  }
0x54: {  	v30 =	vmul.f32 v39, v32;
	v15 =	vor.u32 v1, v15;
	v27 =	vmul.f32 v27, v37;
	v32 =	vld.idx.msk [tilespmem:v36+s8+$0x0], $0xffff  }
0x55: {  	v37 =	vmul.f32 v45, v20;
	v36 =	vshll.u32 v38, $0x7;
	v35 =	vld.idx.msk [tilespmem:v24+s10+$0x0], $0xffff;
	v24 =	vmul.f32 v33, v18  }
0x56: {  	v18 =	vor.u32 v2, v36;
	v20 =	vor.u32 v5, v36;
	v22 =	vmul.f32 v22, v30;
	v25 =	vld.idx.msk [tilespmem:v25+s8+$0x0], $0xffff  }
0x57: {  	v39 =	vmul.f32 v43, v27;
	v48 =	vor.u32 v3, v36;
	v38 =	vshll.u32 v40, $0x7;
	v42 =	vld.idx.msk [tilespmem:v14+s8+$0x0], $0xffff  }
0x58: {  	v14 =	vor.u32 v1, v36;
	v30 =	vor.u32 v0, v38;
	v27 =	vmul.f32 v12, v22;
	v40 =	vld.idx.msk [tilespmem:v23+s8+$0x0], $0xffff  }
0x59: {  	v12 =	vor.u32 v0, v36;
	v33 =	vor.u32 v3, v38;
	v41 =	vor.u32 v4, v38;
	v43 =	vld.idx.msk [tilespmem:v15+s8+$0x0], $0xffff  }
0x5a: {  	v44 =	vor.u32 v7, v36;
	v34 =	vshll.u32 v34, $0x7;
	v15 =	vmul.f32 v19, v29;
	v19 =	vld.idx.msk [tilespmem:v21+s8+$0x0], $0xffff  }
0x5b: {  	v21 =	vor.u32 v7, v34;
	v23 =	vshll.u32 v35, $0x7;
	v35 =	vmul.f32 v50, v17;
	v52 =	vld.idx.msk [tilespmem:v20+s8+$0x0], $0xffff  }
0x5c: {  	v22 =	vor.u32 v4, v36;
	v45 =	vor.u32 v6, v23;
	v46 =	vmul.f32 v49, v15;
	v17 =	vld.idx.msk [tilespmem:v18+s8+$0x0], $0xffff  }
0x5d: {  	v47 =	vor.u32 v6, v34;
	v49 =	vor.u32 v2, v38;
	v25 =	vmul.f32 v25, v31;
	v29 =	vld.idx.msk [tilespmem:v14+s8+$0x0], $0xffff  }
0x5e: {  	v50 =	vor.u32 v1, v38;
	v31 =	vor.u32 v0, v34;
	v15 =	vshll.u32 v26, $0x7;
	v20 =	vld.idx.msk [tilespmem:v12+s8+$0x0], $0xffff  }
0x5f: {  	v26 =	vor.u32 v5, v34;
	v14 =	vor.u32 v6, v15;
	v51 =	vld.idx.msk [tilespmem:v13+s8+$0x0], $0xffff;
	v13 =	vor.u32 v2, v15  }
0x60: {  	v53 =	vor.u32 v2, v34;
	v54 =	vor.u32 v0, v15;
	v55 =	vor.u32 v3, v15;
	v12 =	vld.idx.msk [tilespmem:v41+s8+$0x0], $0xffff  }
0x61: {  	v56 =	vor.u32 v1, v34;
	v32 =	vmul.f32 v32, v27;
	v57 =	vmul.f32 v43, v46;
	v18 =	vld.idx.msk [tilespmem:v44+s8+$0x0], $0xffff  }
0x62: {  	v58 =	vor.u32 v4, v34;
	v16 =	vmul.f32 v16, v25;
	v39 =	vmul.f32 v40, v39;
	v27 =	vld.idx.msk [tilespmem:v21+s8+$0x0], $0xffff  }
0x63: {  	v43 =	vmul.f32 v11, v37;
	v32 =	vmul.f32 v19, v32;
	v44 =	vor.u32 v7, v38;
	v41 =	vld.idx.msk [tilespmem:v31+s8+$0x0], $0xffff  }
0x64: {  	v40 =	vor.u32 v3, v23;
	v16 =	vmul.f32 v10, v16;
	v10 =	vld.idx.msk [tilespmem:v45+s8+$0x0], $0xffff  }
0x65: {  	v37 =	vmul.f32 v51, v35;
	v11 =	vld.idx.msk [tilespmem:v54+s8+$0x0], $0xffff  }
0x66: {  	v45 =	vor.u32 v3, v34;
	v35 =	vmul.f32 v42, v16;
	v21 =	vld.idx.msk [tilespmem:v55+s8+$0x0], $0xffff  }
0x67: {  	v19 =	vld.idx.msk [tilespmem:v50+s8+$0x0], $0xffff  }
0x68: {  	v25 =	vor.u32 v6, v36;
	v34 =	vld.idx.msk [tilespmem:v49+s8+$0x0], $0xffff  }
0x69: {  	v16 =	vld.idx.msk [tilespmem:v26+s8+$0x0], $0xffff  }
0x6a: {  	v49 =	vor.u32 v6, v38;
	v42 =	vld.idx.msk [tilespmem:v53+s8+$0x0], $0xffff  }
0x6b: {  	v50 =	vld.idx.msk [tilespmem:v56+s8+$0x0], $0xffff  }
0x6c: {  	v31 =	vld.idx.msk [tilespmem:v47+s8+$0x0], $0xffff  }
.Ltmp0:
0x6d: {  	v46 =	vor.u32 v5, v23;
	v26 =	vld.idx.msk [tilespmem:v44+s8+$0x0], $0xffff;
	(pc) =	sbr.rel @p1 .LBB2_3-.Ltmp0, $4  }
0x6e: {  	v36 =	vor.u32 v4, v23;
	v47 =	vld.idx.msk [tilespmem:v45+s8+$0x0], $0xffff  }
0x6f: {  	v44 =	vor.u32 v5, v38;
	v53 =	vmul.f32 v16, v39;
	v45 =	vor.u32 v0, v23;
	v16 =	vld.idx.msk [tilespmem:v49+s8+$0x0], $0xffff  }
0x70: {  	v38 =	vor.u32 v7, v15;
	v42 =	vmul.f32 v42, v37;
	v49 =	vor.u32 v1, v23;
	v39 =	vld.idx.msk [tilespmem:v58+s8+$0x0], $0xffff  }
0x71: {  	v51 =	vmul.f32 v50, v57;
	v37 =	vmul.f32 v52, v53;
	v50 =	vor.u32 v2, v23;
	v48 =	vld.idx.msk [tilespmem:v48+s8+$0x0], $0xffff  }
0x72: {  	_ =	sdelay $0x3  }
0x73: {  	v9 =	vld.idx.msk [tilespmem:v33+s8+$0x0], $0xffff  }
0x74: {  	v30 =	vld.idx.msk [tilespmem:v30+s8+$0x0], $0xffff  }
0x75: {  	v61 =	vld.idx.msk [tilespmem:v49+s8+$0x0], $0xffff;
	v62 =	vor.u32 v1, v15  }
0x76: {  	v63 =	vld.idx.msk [tilespmem:v50+s8+$0x0], $0xffff;
	v28 =	vmul.f32 v47, v28  }
0x77: {  	v41 =	vmul.f32 v41, v43;
	v22 =	vld.idx.msk [tilespmem:v22+s8+$0x0], $0xffff  }
0x78: {  	v29 =	vmul.f32 v29, v51;
	v28 =	vmul.f32 v48, v28;
	v48 =	vld.idx.msk [tilespmem:v45+s8+$0x0], $0xffff  }
0x79: {  	v40 =	vld.idx.msk [tilespmem:v40+s8+$0x0], $0xffff;
	v24 =	vmul.f32 v27, v24;
	v20 =	vmul.f32 v20, v41  }
0x7a: {  	v17 =	vmul.f32 v17, v42;
	v19 =	vmul.f32 v19, v29;
	v50 =	vld.idx.msk [tilespmem:v62+s8+$0x0], $0xffff  }
0x7b: {  	v52 =	vor.u32 v4, v15;
	v13 =	vld.idx.msk [tilespmem:v13+s8+$0x0], $0xffff;
	v53 =	vmul.f32 v39, v32;
	v20 =	vmul.f32 v30, v20  }
0x7c: {  	v54 =	vor.u32 v5, v15;
	v55 =	vld.idx.msk [tilespmem:v36+s8+$0x0], $0xffff;
	v17 =	vmul.f32 v34, v17;
	v19 =	vmul.f32 v61, v19  }
0x7d: {  	v51 =	vld.idx.msk [tilespmem:v44+s8+$0x0], $0xffff;
	v22 =	vmul.f32 v22, v53;
	v20 =	vmul.f32 v48, v20  }
0x7e: {  	v25 =	vld.idx.msk [tilespmem:v25+s8+$0x0], $0xffff;
	v17 =	vmul.f32 v63, v17;
	v9 =	vmul.f32 v9, v28  }
0x7f: {  	v23 =	vor.u32 v7, v23;
	v56 =	vld.idx.msk [tilespmem:v46+s8+$0x0], $0xffff;
	v19 =	vmul.f32 v50, v19;
	v11 =	vmul.f32 v11, v20  }
0x80: {  	v57 =	vmul.f32 v31, v35;
	v58 =	vld.idx.msk [tilespmem:v52+s8+$0x0], $0xffff;
	v12 =	vmul.f32 v12, v22  }
0x81: {  	v15 =	vld.idx.msk [tilespmem:v54+s8+$0x0], $0xffff;
	v13 =	vmul.f32 v13, v17;
	v9 =	vmul.f32 v40, v9;
	v11 =	vadd.f32 v19, v11  }
0x82: {  	v59 =	vmul.f32 v51, v37;
	v12 =	vmul.f32 v55, v12  }
0x83: {  	v14 =	vld.idx.msk [tilespmem:v14+s8+$0x0], $0xffff;
	v9 =	vmul.f32 v21, v9;
	v20 =	vmul.f32 v25, v57;
	v11 =	vadd.f32 v13, v11  }
0x84: {  	v60 =	vld.idx.msk [tilespmem:v23+s8+$0x0], $0xffff;
	v61 =	vmul.f32 v18, v24;
	v17 =	vmul.f32 v56, v59  }
0x85: {  	v12 =	vmul.f32 v58, v12;
	v16 =	vmul.f32 v16, v20;
	v9 =	vadd.f32 v9, v11  }
0x86: {  	v62 =	vld.idx.msk [tilespmem:v38+s8+$0x0], $0xffff;
	v15 =	vmul.f32 v15, v17  }
0x87: {  	v13 =	vmul.f32 v26, v61;
	v10 =	vmul.f32 v10, v16;
	v9 =	vadd.f32 v12, v9;
	_ =	sdelay $0x1  }
0x88: {  	v63 =	vmul.f32 v60, v13;
	v10 =	vmul.f32 v14, v10;
	v9 =	vadd.f32 v15, v9;
	_ =	sdelay $0x1  }
0x89: {  	v11 =	vmul.f32 v62, v63;
	v9 =	vadd.f32 v10, v9;
	_ =	sdelay $0x1  }
0x8a: {  	v9 =	vadd.f32 v11, v9;
	_ =	sdelay $0x1  }
0x8b: {  	(xrf2) =	vadd.scan.msk.f32 $0xffff, v9;
	_ =	sdelay $0x8  }
0x8c: {  	s13 =	sadd.s32 $0x1, s13  }
0x8d: {  	p1 =	sne.s32 s13, $0x8;
	v9, _, _ =	vpop (xrf2)  }
.Ltmp1:
0x8e: {  	v9 =	vadd.f32 $0.0e+00, v9;
	(pc) =	sbr.rel @p1 .LBB2_2-.Ltmp1, $3  }
0x8f: {  	_ = 	snop  }
0x90: {  	v9 =	vbroadcast v9, $0xF;
	_ =	sdelay $0x1  }
0x91: {  	[tilespmem:v8+s11+$0x0] =	vst.idx.msk $0x1, v9  }
0x92: {  	s12 =	sadd.s32 $0x1, s12  }
0x93: {  	p1 =	sne.s32 s12, s6  }
.Ltmp2:
0x94: {  	_ = 	snop;
	(pc) =	sbr.rel @p1 .LBB2_1-.Ltmp2, $4  }
0x95: {  	[hbm4b:s5+s2] =	stream.linear.scatter [tilespmem:s11], [sflag:$0x1], $0x8, $0x38;
	[tilespmem:$0x1AAC8] =	vst v63  }
0x96: {  	_ =	swait.ge [sflag:s9], $0x8  }
0x97: {  	[sflag:s9] =	ssyncset.done $0x0  }
0x98: {  	[sflag:s9] =	ssyncadd.s32 $0xFFFFFFF8  }
0x99: {  	_ =	sfence.sel $0x180000  }
0x9a: {  	[bflag:$0x0] =	sbarrier.arrive $0xFFFF  }
0x9b: {  	_ =	strace $0x90000047  }
0x9c: {  	s0 =	sadd.s32 @!p0 $0x100000, s0;
	[bflag:$0x2] =	sbarrier.arrive $0xFFFF  }
0x9d: {  	[sflag:s0] =	ssyncadd.tile.s32 @!p0 $0x1;
	_ =	shalt  }
.Lfunc_end2:
_tile_overlayer_lowered:
.L_overlay_start_2:
0x9e: {  	(tag) =	ssettag $0x2  }
0x9f: {  	s0 =	rddreg [dreg:$0x0];
	s2 =	stileid.u32  }
0xa0: {  	s1 =	rddreg [dreg:$0x1];
	p0 =	sne.s32 s2, $0x0  }
0xa1: {  	s3 =	rddreg [dreg:$0x2];
	[bflag:$0x3] =	sbarrier.arrive $0xFFFF;
	s2 =	simm.s32 @!p0 $0x1C01  }
0xa2: {  	[timem:s3], [sflag:s2] =	dma.local @!p0 [hbm:s0], s1  }
0xa3: {  	s0 =	simm.s32 @!p0 $0x1  }
0xa4: {  	_ =	swait.ge @!p0 [sflag:s0], s1  }
0xa5: {  	s1 =	ssub.s32 @!p0 $0x0, s1;
	[sflag:s0] =	ssyncset.done @!p0 $0x0  }
0xa6: {  	[sflag:s0] =	ssyncadd.s32 @!p0 s1  }
0xa7: {  	[bflag:$0x3] =	sbarrier.arrive $0xFFFF  }
0xa8: {  	_ =	shalt  }

</sc_bundles>
